<compile_context>
chip_gen: v7x
topology: tpu7x:2x2x1
jax: 0.10.2.dev20260603
libtpu: 0.0.44.dev20260713+nightly
codegen_flags: <defaults>
</compile_context>

<pallas_src>
import jax
import jax.numpy as jnp
from jax import lax
from jax.experimental import pallas as pl
from jax.experimental.pallas import tpu as pltpu
from jax.experimental.pallas import tpu_sc as plsc

_NC = 2
_NS = 16
_NW = _NC * _NS
_LANES = 128
_NB = 8


def kernel(x, emb_weight):
    batch, hist = x.shape
    vocab1, emb_dim = emb_weight.shape
    batches_per_worker = batch // _NW
    groups_per_worker = batches_per_worker // _NB
    pairs = groups_per_worker // 2

    tbl_wide = jnp.concatenate(
        [emb_weight,
         jnp.zeros((vocab1, _LANES - emb_dim), jnp.float32)], axis=1)

    mesh = plsc.VectorSubcoreMesh(core_axis_name="c", subcore_axis_name="s")

    @pl.kernel(
        out_type=jax.ShapeDtypeStruct((batch, hist, _LANES), jnp.float32),
        mesh=mesh,
        scratch_types=[
            pltpu.VMEM((_NB, hist), jnp.int32),
            pltpu.VMEM((_NB, hist), jnp.int32),
            pltpu.VMEM((_NB, hist, _LANES), jnp.float32),
            pltpu.VMEM((_NB, hist, _LANES), jnp.float32),
            pltpu.SemaphoreType.DMA,
            pltpu.SemaphoreType.DMA,
        ],
    )
    def gather_kernel(tbl_hbm, idx_hbm, out_hbm,
                      idx0, idx1, rows0, rows1, gsem, wsem):
        wid = lax.axis_index("s") * _NC + lax.axis_index("c")
        b0 = wid * batches_per_worker

        def run_group(g, idx_v, rows_v):
            b = b0 + g * _NB
            @pl.when(g >= 2)
            def _():
                pltpu.make_async_copy(
                    rows_v, out_hbm.at[pl.ds(b0, _NB)], wsem).wait()

            pltpu.sync_copy(idx_hbm.at[pl.ds(b, _NB)], idx_v)
            copies = [
                pltpu.async_copy(
                    tbl_hbm.at[idx_v.at[j]], rows_v.at[j], gsem)
                for j in range(_NB)
            ]
            for c in copies:
                c.wait()
            pltpu.async_copy(rows_v, out_hbm.at[pl.ds(b, _NB)], wsem)

        @pl.loop(0, pairs)
        def _(p):
            run_group(2 * p, idx0, rows0)
            run_group(2 * p + 1, idx1, rows1)

        pltpu.make_async_copy(rows0, out_hbm.at[pl.ds(b0, _NB)], wsem).wait()
        pltpu.make_async_copy(rows1, out_hbm.at[pl.ds(b0, _NB)], wsem).wait()

    wide3 = gather_kernel(tbl_wide, x)
    return wide3[:, :, :emb_dim]

# --- scband reference (transcript-rebuilt; emitter-appended) ---
"""Pipeline reference for scband-word-embedding-39745627357833 (READ-ONLY COPY).

The authoritative reference and input builder live on the scoring server;
editing this copy changes nothing except your own understanding.
"""

import jax, jax.numpy as jnp
import numpy as np

VOCAB_SIZE = 1000000
EMB_DIM = 32
BATCH = 16384
HIST = 50


def setup_inputs(seed: int = 0) -> dict:
    key = jax.random.key(seed)
    k_idx, k_emb = jax.random.split(key)
    # indices in [0, vocab_size); padding_idx = vocab_size is never sampled
    x = jax.random.randint(k_idx, (BATCH, HIST), 0, VOCAB_SIZE, dtype=jnp.int32)
    # embedding table has vocab_size + 1 rows (last row is padding_idx)
    emb_weight = jax.random.normal(k_emb, (VOCAB_SIZE + 1, EMB_DIM), dtype=jnp.float32)
    # padding row initialized to zeros (matches nn.Embedding padding_idx init)
    emb_weight = emb_weight.at[VOCAB_SIZE].set(0.0)
    return {"x": x, "emb_weight": emb_weight}


def reference(x, emb_weight):
    # WordEmbedding.forward: x_emb = self.emb(x); dropout is None so no-op
    x_emb = jnp.take(emb_weight, x, axis=0)
    return x_emb

if __name__ == "__main__":
    import jax
    _d = setup_inputs()
    print(jax.jit(kernel)(*tuple(_d.values())))

</pallas_src>

<mosaic_0001>
#map = affine_map<(d0, d1) -> (0, 0)>
#map1 = affine_map<(d0, d1) -> (0, 0, 0)>
module attributes {stable_mosaic.version = 14 : i64} {
  func.func @gather_kernel(%arg0: i32, %arg1: i32, %arg2: memref<1000001x128xf32, #tpu.memory_space<hbm>>, %arg3: memref<16384x50xi32, #tpu.memory_space<hbm>>, %arg4: memref<16384x50x128xf32, #tpu.memory_space<hbm>>, %arg5: memref<8x50xi32, #tpu.memory_space<vmem>>, %arg6: memref<8x50xi32, #tpu.memory_space<vmem>>, %arg7: memref<8x50x128xf32, #tpu.memory_space<vmem>>, %arg8: memref<8x50x128xf32, #tpu.memory_space<vmem>>, %arg9: memref<!tpu.dma_semaphore, #tpu.memory_space<semaphore_mem>>, %arg10: memref<!tpu.dma_semaphore, #tpu.memory_space<semaphore_mem>>) attributes {dimension_semantics = [#tpu.dimension_semantics<core_parallel>, #tpu.dimension_semantics<subcore_parallel>], iteration_bounds = array<i64: 2, 16>, scalar_prefetch = 0 : i64, scratch_operands = 6 : i64, tpu.core_type = #tpu.core_type<sc_vector_subcore>, window_params = [{transform_indices = #map}, {transform_indices = #map}, {transform_indices = #map1}]} {
    %mul3A = arith.constant 2 : i32
    %mul3A_0 = arith.muli %arg1, %mul3A : i32
    %add3A = arith.addi %mul3A_0, %arg0 : i32
    %mul3A_1 = arith.constant 512 : i32
    %mul3A_2 = arith.muli %add3A, %mul3A_1 : i32
    %scan3A = arith.constant 0 : i32
    %scan3A_3 = arith.constant 32 : i32
    %scan3A_4 = arith.addi %scan3A, %scan3A_3 : i32
    %scan3A_5 = arith.constant 1 : i32
    scf.for %scan3A_18 = %scan3A to %scan3A_4 step %scan3A_5  : i32 {
      %mul3A_19 = arith.constant 1 : i32
      %mul3A_20 = arith.muli %scan3A_18, %mul3A_19 : i32
      %add3A_21 = arith.constant 0 : i32
      %add3A_22 = arith.addi %add3A_21, %mul3A_20 : i32
      %mul3A_23 = arith.constant 2 : i32
      %mul3A_24 = arith.muli %mul3A_23, %add3A_22 : i32
      %mul3A_25 = arith.constant 8 : i32
      %mul3A_26 = arith.muli %mul3A_24, %mul3A_25 : i32
      %add3A_27 = arith.addi %mul3A_2, %mul3A_26 : i32
      %ge3A = arith.constant 2 : i32
      %ge3A_28 = arith.cmpi sge, %mul3A_24, %ge3A : i32
      %convert_element_type3A = arith.extui %ge3A_28 : i1 to i32
      %cond3A = arith.constant 0 : i32
      %cond3A_29 = arith.cmpi ne, %convert_element_type3A, %cond3A : i32
      scf.if %cond3A_29 {
        %dma_wait3A_437 = arith.constant 0 : i32
        %dma_wait3A_438 = arith.constant 0 : i32
        %dma_wait3A_439 = tpu.memref_slice %arg4[%mul3A_2, %dma_wait3A_437, %dma_wait3A_438] : memref<16384x50x128xf32, #tpu.memory_space<hbm>> -> memref<8x50x128xf32, #tpu.memory_space<hbm>>
        %dma_wait3A_440 = arith.constant 0 : i32
        %dma_wait3A_441 = arith.constant 0 : i32
        %dma_wait3A_442 = tpu.memref_slice %arg4[%mul3A_2, %dma_wait3A_440, %dma_wait3A_441] : memref<16384x50x128xf32, #tpu.memory_space<hbm>> -> memref<8x50x128xf32, #tpu.memory_space<hbm>>
        tpu.wait_dma2 semaphore(%arg10 : memref<!tpu.dma_semaphore, #tpu.memory_space<semaphore_mem>>) src(%arg7 : memref<8x50x128xf32, #tpu.memory_space<vmem>>) dst(%dma_wait3A_442 : memref<8x50x128xf32, #tpu.memory_space<hbm>>)
      } else {
      }
      "tpu.region"() ({
        %run_scoped3A = tpu.sem_alloc : memref<!tpu.dma_semaphore, #tpu.memory_space<semaphore_mem>>
        %dma_start3A_437 = arith.constant 0 : i32
        %dma_start3A_438 = tpu.memref_slice %arg3[%add3A_27, %dma_start3A_437] : memref<16384x50xi32, #tpu.memory_space<hbm>> -> memref<8x50xi32, #tpu.memory_space<hbm>>
        %dma_start3A_439 = arith.constant 0 : i32
        %dma_start3A_440 = tpu.memref_slice %arg3[%add3A_27, %dma_start3A_439] : memref<16384x50xi32, #tpu.memory_space<hbm>> -> memref<8x50xi32, #tpu.memory_space<hbm>>
        tpu.enqueue_dma source(%dma_start3A_440 : memref<8x50xi32, #tpu.memory_space<hbm>>) target(%arg5 : memref<8x50xi32, #tpu.memory_space<vmem>>) target_semaphore(%run_scoped3A : memref<!tpu.dma_semaphore, #tpu.memory_space<semaphore_mem>>)
        %dma_wait3A_441 = arith.constant 0 : i32
        %dma_wait3A_442 = tpu.memref_slice %arg3[%add3A_27, %dma_wait3A_441] : memref<16384x50xi32, #tpu.memory_space<hbm>> -> memref<8x50xi32, #tpu.memory_space<hbm>>
        %dma_wait3A_443 = arith.constant 0 : i32
        %dma_wait3A_444 = tpu.memref_slice %arg3[%add3A_27, %dma_wait3A_443] : memref<16384x50xi32, #tpu.memory_space<hbm>> -> memref<8x50xi32, #tpu.memory_space<hbm>>
        tpu.wait_dma2 semaphore(%run_scoped3A : memref<!tpu.dma_semaphore, #tpu.memory_space<semaphore_mem>>) src(%dma_wait3A_444 : memref<8x50xi32, #tpu.memory_space<hbm>>) dst(%arg5 : memref<8x50xi32, #tpu.memory_space<vmem>>)
        tpu.yield
      }) : () -> ()
      %dma_start3A = arith.constant 0 : i32
      %dma_start3A_30 = arith.constant 0 : i32
      %dma_start3A_31 = arith.constant 0 : i32
      %dma_start3A_32 = arith.constant 0 : i32
      %dma_start3A_33 = tpu.memref_slice %arg7[%dma_start3A_30, %dma_start3A_31, %dma_start3A_32] : memref<8x50x128xf32, #tpu.memory_space<vmem>> -> memref<1x50x128xf32, #tpu.memory_space<vmem>>
      %dma_start3A_34 = tpu.memref_squeeze %dma_start3A_33 : memref<1x50x128xf32, #tpu.memory_space<vmem>> -> memref<50x128xf32, #tpu.memory_space<vmem>>
      %dma_start3A_35 = arith.constant 0 : i32
      %dma_start3A_36 = tpu.memref_slice %arg5[%dma_start3A, %dma_start3A_35] : memref<8x50xi32, #tpu.memory_space<vmem>> -> memref<1x50xi32, #tpu.memory_space<vmem>>
      %dma_start3A_37 = tpu.memref_squeeze %dma_start3A_36 : memref<1x50xi32, #tpu.memory_space<vmem>> -> memref<50xi32, #tpu.memory_space<vmem>>
      %dma_start3A_38 = arith.constant 0 : i32
      %dma_start3A_39 = arith.constant 0 : i32
      %dma_start3A_40 = tpu.memref_slice %arg2[%dma_start3A_38, %dma_start3A_39] : memref<1000001x128xf32, #tpu.memory_space<hbm>> -> memref<1000001x128xf32, #tpu.memory_space<hbm>>
      tpu.enqueue_indirect_dma source(%dma_start3A_40 : memref<1000001x128xf32, #tpu.memory_space<hbm>>) target(%dma_start3A_34 : memref<50x128xf32, #tpu.memory_space<vmem>>) offsets(%dma_start3A_37 : memref<50xi32, #tpu.memory_space<vmem>>) semaphore(%arg9 : memref<!tpu.dma_semaphore, #tpu.memory_space<semaphore_mem>>)
      %dma_start3A_41 = arith.constant 1 : i32
      %dma_start3A_42 = arith.constant 1 : i32
      %dma_start3A_43 = arith.constant 0 : i32
      %dma_start3A_44 = arith.constant 0 : i32
      %dma_start3A_45 = tpu.memref_slice %arg7[%dma_start3A_42, %dma_start3A_43, %dma_start3A_44] : memref<8x50x128xf32, #tpu.memory_space<vmem>> -> memref<1x50x128xf32, #tpu.memory_space<vmem>>
      %dma_start3A_46 = tpu.memref_squeeze %dma_start3A_45 : memref<1x50x128xf32, #tpu.memory_space<vmem>> -> memref<50x128xf32, #tpu.memory_space<vmem>>
      %dma_start3A_47 = arith.constant 0 : i32
      %dma_start3A_48 = tpu.memref_slice %arg5[%dma_start3A_41, %dma_start3A_47] : memref<8x50xi32, #tpu.memory_space<vmem>> -> memref<1x50xi32, #tpu.memory_space<vmem>>
      %dma_start3A_49 = tpu.memref_squeeze %dma_start3A_48 : memref<1x50xi32, #tpu.memory_space<vmem>> -> memref<50xi32, #tpu.memory_space<vmem>>
      %dma_start3A_50 = arith.constant 0 : i32
      %dma_start3A_51 = arith.constant 0 : i32
      %dma_start3A_52 = tpu.memref_slice %arg2[%dma_start3A_50, %dma_start3A_51] : memref<1000001x128xf32, #tpu.memory_space<hbm>> -> memref<1000001x128xf32, #tpu.memory_space<hbm>>
      tpu.enqueue_indirect_dma source(%dma_start3A_52 : memref<1000001x128xf32, #tpu.memory_space<hbm>>) target(%dma_start3A_46 : memref<50x128xf32, #tpu.memory_space<vmem>>) offsets(%dma_start3A_49 : memref<50xi32, #tpu.memory_space<vmem>>) semaphore(%arg9 : memref<!tpu.dma_semaphore, #tpu.memory_space<semaphore_mem>>)
      %dma_start3A_53 = arith.constant 2 : i32
      %dma_start3A_54 = arith.constant 2 : i32
      %dma_start3A_55 = arith.constant 0 : i32
      %dma_start3A_56 = arith.constant 0 : i32
      %dma_start3A_57 = tpu.memref_slice %arg7[%dma_start3A_54, %dma_start3A_55, %dma_start3A_56] : memref<8x50x128xf32, #tpu.memory_space<vmem>> -> memref<1x50x128xf32, #tpu.memory_space<vmem>>
      %dma_start3A_58 = tpu.memref_squeeze %dma_start3A_57 : memref<1x50x128xf32, #tpu.memory_space<vmem>> -> memref<50x128xf32, #tpu.memory_space<vmem>>
      %dma_start3A_59 = arith.constant 0 : i32
      %dma_start3A_60 = tpu.memref_slice %arg5[%dma_start3A_53, %dma_start3A_59] : memref<8x50xi32, #tpu.memory_space<vmem>> -> memref<1x50xi32, #tpu.memory_space<vmem>>
      %dma_start3A_61 = tpu.memref_squeeze %dma_start3A_60 : memref<1x50xi32, #tpu.memory_space<vmem>> -> memref<50xi32, #tpu.memory_space<vmem>>
      %dma_start3A_62 = arith.constant 0 : i32
      %dma_start3A_63 = arith.constant 0 : i32
      %dma_start3A_64 = tpu.memref_slice %arg2[%dma_start3A_62, %dma_start3A_63] : memref<1000001x128xf32, #tpu.memory_space<hbm>> -> memref<1000001x128xf32, #tpu.memory_space<hbm>>
      tpu.enqueue_indirect_dma source(%dma_start3A_64 : memref<1000001x128xf32, #tpu.memory_space<hbm>>) target(%dma_start3A_58 : memref<50x128xf32, #tpu.memory_space<vmem>>) offsets(%dma_start3A_61 : memref<50xi32, #tpu.memory_space<vmem>>) semaphore(%arg9 : memref<!tpu.dma_semaphore, #tpu.memory_space<semaphore_mem>>)
      %dma_start3A_65 = arith.constant 3 : i32
      %dma_start3A_66 = arith.constant 3 : i32
      %dma_start3A_67 = arith.constant 0 : i32
      %dma_start3A_68 = arith.constant 0 : i32
      %dma_start3A_69 = tpu.memref_slice %arg7[%dma_start3A_66, %dma_start3A_67, %dma_start3A_68] : memref<8x50x128xf32, #tpu.memory_space<vmem>> -> memref<1x50x128xf32, #tpu.memory_space<vmem>>
      %dma_start3A_70 = tpu.memref_squeeze %dma_start3A_69 : memref<1x50x128xf32, #tpu.memory_space<vmem>> -> memref<50x128xf32, #tpu.memory_space<vmem>>
      %dma_start3A_71 = arith.constant 0 : i32
      %dma_start3A_72 = tpu.memref_slice %arg5[%dma_start3A_65, %dma_start3A_71] : memref<8x50xi32, #tpu.memory_space<vmem>> -> memref<1x50xi32, #tpu.memory_space<vmem>>
      %dma_start3A_73 = tpu.memref_squeeze %dma_start3A_72 : memref<1x50xi32, #tpu.memory_space<vmem>> -> memref<50xi32, #tpu.memory_space<vmem>>
      %dma_start3A_74 = arith.constant 0 : i32
      %dma_start3A_75 = arith.constant 0 : i32
      %dma_start3A_76 = tpu.memref_slice %arg2[%dma_start3A_74, %dma_start3A_75] : memref<1000001x128xf32, #tpu.memory_space<hbm>> -> memref<1000001x128xf32, #tpu.memory_space<hbm>>
      tpu.enqueue_indirect_dma source(%dma_start3A_76 : memref<1000001x128xf32, #tpu.memory_space<hbm>>) target(%dma_start3A_70 : memref<50x128xf32, #tpu.memory_space<vmem>>) offsets(%dma_start3A_73 : memref<50xi32, #tpu.memory_space<vmem>>) semaphore(%arg9 : memref<!tpu.dma_semaphore, #tpu.memory_space<semaphore_mem>>)
      %dma_start3A_77 = arith.constant 4 : i32
      %dma_start3A_78 = arith.constant 4 : i32
      %dma_start3A_79 = arith.constant 0 : i32
      %dma_start3A_80 = arith.constant 0 : i32
      %dma_start3A_81 = tpu.memref_slice %arg7[%dma_start3A_78, %dma_start3A_79, %dma_start3A_80] : memref<8x50x128xf32, #tpu.memory_space<vmem>> -> memref<1x50x128xf32, #tpu.memory_space<vmem>>
      %dma_start3A_82 = tpu.memref_squeeze %dma_start3A_81 : memref<1x50x128xf32, #tpu.memory_space<vmem>> -> memref<50x128xf32, #tpu.memory_space<vmem>>
      %dma_start3A_83 = arith.constant 0 : i32
      %dma_start3A_84 = tpu.memref_slice %arg5[%dma_start3A_77, %dma_start3A_83] : memref<8x50xi32, #tpu.memory_space<vmem>> -> memref<1x50xi32, #tpu.memory_space<vmem>>
      %dma_start3A_85 = tpu.memref_squeeze %dma_start3A_84 : memref<1x50xi32, #tpu.memory_space<vmem>> -> memref<50xi32, #tpu.memory_space<vmem>>
      %dma_start3A_86 = arith.constant 0 : i32
      %dma_start3A_87 = arith.constant 0 : i32
      %dma_start3A_88 = tpu.memref_slice %arg2[%dma_start3A_86, %dma_start3A_87] : memref<1000001x128xf32, #tpu.memory_space<hbm>> -> memref<1000001x128xf32, #tpu.memory_space<hbm>>
      tpu.enqueue_indirect_dma source(%dma_start3A_88 : memref<1000001x128xf32, #tpu.memory_space<hbm>>) target(%dma_start3A_82 : memref<50x128xf32, #tpu.memory_space<vmem>>) offsets(%dma_start3A_85 : memref<50xi32, #tpu.memory_space<vmem>>) semaphore(%arg9 : memref<!tpu.dma_semaphore, #tpu.memory_space<semaphore_mem>>)
      %dma_start3A_89 = arith.constant 5 : i32
      %dma_start3A_90 = arith.constant 5 : i32
      %dma_start3A_91 = arith.constant 0 : i32
      %dma_start3A_92 = arith.constant 0 : i32
      %dma_start3A_93 = tpu.memref_slice %arg7[%dma_start3A_90, %dma_start3A_91, %dma_start3A_92] : memref<8x50x128xf32, #tpu.memory_space<vmem>> -> memref<1x50x128xf32, #tpu.memory_space<vmem>>
      %dma_start3A_94 = tpu.memref_squeeze %dma_start3A_93 : memref<1x50x128xf32, #tpu.memory_space<vmem>> -> memref<50x128xf32, #tpu.memory_space<vmem>>
      %dma_start3A_95 = arith.constant 0 : i32
      %dma_start3A_96 = tpu.memref_slice %arg5[%dma_start3A_89, %dma_start3A_95] : memref<8x50xi32, #tpu.memory_space<vmem>> -> memref<1x50xi32, #tpu.memory_space<vmem>>
      %dma_start3A_97 = tpu.memref_squeeze %dma_start3A_96 : memref<1x50xi32, #tpu.memory_space<vmem>> -> memref<50xi32, #tpu.memory_space<vmem>>
      %dma_start3A_98 = arith.constant 0 : i32
      %dma_start3A_99 = arith.constant 0 : i32
      %dma_start3A_100 = tpu.memref_slice %arg2[%dma_start3A_98, %dma_start3A_99] : memref<1000001x128xf32, #tpu.memory_space<hbm>> -> memref<1000001x128xf32, #tpu.memory_space<hbm>>
      tpu.enqueue_indirect_dma source(%dma_start3A_100 : memref<1000001x128xf32, #tpu.memory_space<hbm>>) target(%dma_start3A_94 : memref<50x128xf32, #tpu.memory_space<vmem>>) offsets(%dma_start3A_97 : memref<50xi32, #tpu.memory_space<vmem>>) semaphore(%arg9 : memref<!tpu.dma_semaphore, #tpu.memory_space<semaphore_mem>>)
      %dma_start3A_101 = arith.constant 6 : i32
      %dma_start3A_102 = arith.constant 6 : i32
      %dma_start3A_103 = arith.constant 0 : i32
      %dma_start3A_104 = arith.constant 0 : i32
      %dma_start3A_105 = tpu.memref_slice %arg7[%dma_start3A_102, %dma_start3A_103, %dma_start3A_104] : memref<8x50x128xf32, #tpu.memory_space<vmem>> -> memref<1x50x128xf32, #tpu.memory_space<vmem>>
      %dma_start3A_106 = tpu.memref_squeeze %dma_start3A_105 : memref<1x50x128xf32, #tpu.memory_space<vmem>> -> memref<50x128xf32, #tpu.memory_space<vmem>>
      %dma_start3A_107 = arith.constant 0 : i32
      %dma_start3A_108 = tpu.memref_slice %arg5[%dma_start3A_101, %dma_start3A_107] : memref<8x50xi32, #tpu.memory_space<vmem>> -> memref<1x50xi32, #tpu.memory_space<vmem>>
      %dma_start3A_109 = tpu.memref_squeeze %dma_start3A_108 : memref<1x50xi32, #tpu.memory_space<vmem>> -> memref<50xi32, #tpu.memory_space<vmem>>
      %dma_start3A_110 = arith.constant 0 : i32
      %dma_start3A_111 = arith.constant 0 : i32
      %dma_start3A_112 = tpu.memref_slice %arg2[%dma_start3A_110, %dma_start3A_111] : memref<1000001x128xf32, #tpu.memory_space<hbm>> -> memref<1000001x128xf32, #tpu.memory_space<hbm>>
      tpu.enqueue_indirect_dma source(%dma_start3A_112 : memref<1000001x128xf32, #tpu.memory_space<hbm>>) target(%dma_start3A_106 : memref<50x128xf32, #tpu.memory_space<vmem>>) offsets(%dma_start3A_109 : memref<50xi32, #tpu.memory_space<vmem>>) semaphore(%arg9 : memref<!tpu.dma_semaphore, #tpu.memory_space<semaphore_mem>>)
      %dma_start3A_113 = arith.constant 7 : i32
      %dma_start3A_114 = arith.constant 7 : i32
      %dma_start3A_115 = arith.constant 0 : i32
      %dma_start3A_116 = arith.constant 0 : i32
      %dma_start3A_117 = tpu.memref_slice %arg7[%dma_start3A_114, %dma_start3A_115, %dma_start3A_116] : memref<8x50x128xf32, #tpu.memory_space<vmem>> -> memref<1x50x128xf32, #tpu.memory_space<vmem>>
      %dma_start3A_118 = tpu.memref_squeeze %dma_start3A_117 : memref<1x50x128xf32, #tpu.memory_space<vmem>> -> memref<50x128xf32, #tpu.memory_space<vmem>>
      %dma_start3A_119 = arith.constant 0 : i32
      %dma_start3A_120 = tpu.memref_slice %arg5[%dma_start3A_113, %dma_start3A_119] : memref<8x50xi32, #tpu.memory_space<vmem>> -> memref<1x50xi32, #tpu.memory_space<vmem>>
      %dma_start3A_121 = tpu.memref_squeeze %dma_start3A_120 : memref<1x50xi32, #tpu.memory_space<vmem>> -> memref<50xi32, #tpu.memory_space<vmem>>
      %dma_start3A_122 = arith.constant 0 : i32
      %dma_start3A_123 = arith.constant 0 : i32
      %dma_start3A_124 = tpu.memref_slice %arg2[%dma_start3A_122, %dma_start3A_123] : memref<1000001x128xf32, #tpu.memory_space<hbm>> -> memref<1000001x128xf32, #tpu.memory_space<hbm>>
      tpu.enqueue_indirect_dma source(%dma_start3A_124 : memref<1000001x128xf32, #tpu.memory_space<hbm>>) target(%dma_start3A_118 : memref<50x128xf32, #tpu.memory_space<vmem>>) offsets(%dma_start3A_121 : memref<50xi32, #tpu.memory_space<vmem>>) semaphore(%arg9 : memref<!tpu.dma_semaphore, #tpu.memory_space<semaphore_mem>>)
      %dma_wait3A_125 = arith.constant 0 : i32
      %dma_wait3A_126 = arith.constant 0 : i32
      %dma_wait3A_127 = arith.constant 0 : i32
      %dma_wait3A_128 = arith.constant 0 : i32
      %dma_wait3A_129 = tpu.memref_slice %arg7[%dma_wait3A_126, %dma_wait3A_127, %dma_wait3A_128] : memref<8x50x128xf32, #tpu.memory_space<vmem>> -> memref<1x50x128xf32, #tpu.memory_space<vmem>>
      %dma_wait3A_130 = tpu.memref_squeeze %dma_wait3A_129 : memref<1x50x128xf32, #tpu.memory_space<vmem>> -> memref<50x128xf32, #tpu.memory_space<vmem>>
      %dma_wait3A_131 = arith.constant 0 : i32
      %dma_wait3A_132 = tpu.memref_slice %arg5[%dma_wait3A_125, %dma_wait3A_131] : memref<8x50xi32, #tpu.memory_space<vmem>> -> memref<1x50xi32, #tpu.memory_space<vmem>>
      %dma_wait3A_133 = tpu.memref_squeeze %dma_wait3A_132 : memref<1x50xi32, #tpu.memory_space<vmem>> -> memref<50xi32, #tpu.memory_space<vmem>>
      %dma_wait3A_134 = arith.constant 0 : i32
      %dma_wait3A_135 = arith.constant 0 : i32
      %dma_wait3A_136 = tpu.memref_slice %arg2[%dma_wait3A_134, %dma_wait3A_135] : memref<1000001x128xf32, #tpu.memory_space<hbm>> -> memref<1000001x128xf32, #tpu.memory_space<hbm>>
      tpu.wait_indirect_dma semaphore(%arg9 : memref<!tpu.dma_semaphore, #tpu.memory_space<semaphore_mem>>) src(%dma_wait3A_136 : memref<1000001x128xf32, #tpu.memory_space<hbm>>) dst(%dma_wait3A_130 : memref<50x128xf32, #tpu.memory_space<vmem>>)
      %dma_wait3A_137 = arith.constant 1 : i32
      %dma_wait3A_138 = arith.constant 1 : i32
      %dma_wait3A_139 = arith.constant 0 : i32
      %dma_wait3A_140 = arith.constant 0 : i32
      %dma_wait3A_141 = tpu.memref_slice %arg7[%dma_wait3A_138, %dma_wait3A_139, %dma_wait3A_140] : memref<8x50x128xf32, #tpu.memory_space<vmem>> -> memref<1x50x128xf32, #tpu.memory_space<vmem>>
      %dma_wait3A_142 = tpu.memref_squeeze %dma_wait3A_141 : memref<1x50x128xf32, #tpu.memory_space<vmem>> -> memref<50x128xf32, #tpu.memory_space<vmem>>
      %dma_wait3A_143 = arith.constant 0 : i32
      %dma_wait3A_144 = tpu.memref_slice %arg5[%dma_wait3A_137, %dma_wait3A_143] : memref<8x50xi32, #tpu.memory_space<vmem>> -> memref<1x50xi32, #tpu.memory_space<vmem>>
      %dma_wait3A_145 = tpu.memref_squeeze %dma_wait3A_144 : memref<1x50xi32, #tpu.memory_space<vmem>> -> memref<50xi32, #tpu.memory_space<vmem>>
      %dma_wait3A_146 = arith.constant 0 : i32
      %dma_wait3A_147 = arith.constant 0 : i32
      %dma_wait3A_148 = tpu.memref_slice %arg2[%dma_wait3A_146, %dma_wait3A_147] : memref<1000001x128xf32, #tpu.memory_space<hbm>> -> memref<1000001x128xf32, #tpu.memory_space<hbm>>
      tpu.wait_indirect_dma semaphore(%arg9 : memref<!tpu.dma_semaphore, #tpu.memory_space<semaphore_mem>>) src(%dma_wait3A_148 : memref<1000001x128xf32, #tpu.memory_space<hbm>>) dst(%dma_wait3A_142 : memref<50x128xf32, #tpu.memory_space<vmem>>)
      %dma_wait3A_149 = arith.constant 2 : i32
      %dma_wait3A_150 = arith.constant 2 : i32
      %dma_wait3A_151 = arith.constant 0 : i32
      %dma_wait3A_152 = arith.constant 0 : i32
      %dma_wait3A_153 = tpu.memref_slice %arg7[%dma_wait3A_150, %dma_wait3A_151, %dma_wait3A_152] : memref<8x50x128xf32, #tpu.memory_space<vmem>> -> memref<1x50x128xf32, #tpu.memory_space<vmem>>
      %dma_wait3A_154 = tpu.memref_squeeze %dma_wait3A_153 : memref<1x50x128xf32, #tpu.memory_space<vmem>> -> memref<50x128xf32, #tpu.memory_space<vmem>>
      %dma_wait3A_155 = arith.constant 0 : i32
      %dma_wait3A_156 = tpu.memref_slice %arg5[%dma_wait3A_149, %dma_wait3A_155] : memref<8x50xi32, #tpu.memory_space<vmem>> -> memref<1x50xi32, #tpu.memory_space<vmem>>
      %dma_wait3A_157 = tpu.memref_squeeze %dma_wait3A_156 : memref<1x50xi32, #tpu.memory_space<vmem>> -> memref<50xi32, #tpu.memory_space<vmem>>
      %dma_wait3A_158 = arith.constant 0 : i32
      %dma_wait3A_159 = arith.constant 0 : i32
      %dma_wait3A_160 = tpu.memref_slice %arg2[%dma_wait3A_158, %dma_wait3A_159] : memref<1000001x128xf32, #tpu.memory_space<hbm>> -> memref<1000001x128xf32, #tpu.memory_space<hbm>>
      tpu.wait_indirect_dma semaphore(%arg9 : memref<!tpu.dma_semaphore, #tpu.memory_space<semaphore_mem>>) src(%dma_wait3A_160 : memref<1000001x128xf32, #tpu.memory_space<hbm>>) dst(%dma_wait3A_154 : memref<50x128xf32, #tpu.memory_space<vmem>>)
      %dma_wait3A_161 = arith.constant 3 : i32
      %dma_wait3A_162 = arith.constant 3 : i32
      %dma_wait3A_163 = arith.constant 0 : i32
      %dma_wait3A_164 = arith.constant 0 : i32
      %dma_wait3A_165 = tpu.memref_slice %arg7[%dma_wait3A_162, %dma_wait3A_163, %dma_wait3A_164] : memref<8x50x128xf32, #tpu.memory_space<vmem>> -> memref<1x50x128xf32, #tpu.memory_space<vmem>>
      %dma_wait3A_166 = tpu.memref_squeeze %dma_wait3A_165 : memref<1x50x128xf32, #tpu.memory_space<vmem>> -> memref<50x128xf32, #tpu.memory_space<vmem>>
      %dma_wait3A_167 = arith.constant 0 : i32
      %dma_wait3A_168 = tpu.memref_slice %arg5[%dma_wait3A_161, %dma_wait3A_167] : memref<8x50xi32, #tpu.memory_space<vmem>> -> memref<1x50xi32, #tpu.memory_space<vmem>>
      %dma_wait3A_169 = tpu.memref_squeeze %dma_wait3A_168 : memref<1x50xi32, #tpu.memory_space<vmem>> -> memref<50xi32, #tpu.memory_space<vmem>>
      %dma_wait3A_170 = arith.constant 0 : i32
      %dma_wait3A_171 = arith.constant 0 : i32
      %dma_wait3A_172 = tpu.memref_slice %arg2[%dma_wait3A_170, %dma_wait3A_171] : memref<1000001x128xf32, #tpu.memory_space<hbm>> -> memref<1000001x128xf32, #tpu.memory_space<hbm>>
      tpu.wait_indirect_dma semaphore(%arg9 : memref<!tpu.dma_semaphore, #tpu.memory_space<semaphore_mem>>) src(%dma_wait3A_172 : memref<1000001x128xf32, #tpu.memory_space<hbm>>) dst(%dma_wait3A_166 : memref<50x128xf32, #tpu.memory_space<vmem>>)
      %dma_wait3A_173 = arith.constant 4 : i32
      %dma_wait3A_174 = arith.constant 4 : i32
      %dma_wait3A_175 = arith.constant 0 : i32
      %dma_wait3A_176 = arith.constant 0 : i32
      %dma_wait3A_177 = tpu.memref_slice %arg7[%dma_wait3A_174, %dma_wait3A_175, %dma_wait3A_176] : memref<8x50x128xf32, #tpu.memory_space<vmem>> -> memref<1x50x128xf32, #tpu.memory_space<vmem>>
      %dma_wait3A_178 = tpu.memref_squeeze %dma_wait3A_177 : memref<1x50x128xf32, #tpu.memory_space<vmem>> -> memref<50x128xf32, #tpu.memory_space<vmem>>
      %dma_wait3A_179 = arith.constant 0 : i32
      %dma_wait3A_180 = tpu.memref_slice %arg5[%dma_wait3A_173, %dma_wait3A_179] : memref<8x50xi32, #tpu.memory_space<vmem>> -> memref<1x50xi32, #tpu.memory_space<vmem>>
      %dma_wait3A_181 = tpu.memref_squeeze %dma_wait3A_180 : memref<1x50xi32, #tpu.memory_space<vmem>> -> memref<50xi32, #tpu.memory_space<vmem>>
      %dma_wait3A_182 = arith.constant 0 : i32
      %dma_wait3A_183 = arith.constant 0 : i32
      %dma_wait3A_184 = tpu.memref_slice %arg2[%dma_wait3A_182, %dma_wait3A_183] : memref<1000001x128xf32, #tpu.memory_space<hbm>> -> memref<1000001x128xf32, #tpu.memory_space<hbm>>
      tpu.wait_indirect_dma semaphore(%arg9 : memref<!tpu.dma_semaphore, #tpu.memory_space<semaphore_mem>>) src(%dma_wait3A_184 : memref<1000001x128xf32, #tpu.memory_space<hbm>>) dst(%dma_wait3A_178 : memref<50x128xf32, #tpu.memory_space<vmem>>)
      %dma_wait3A_185 = arith.constant 5 : i32
      %dma_wait3A_186 = arith.constant 5 : i32
      %dma_wait3A_187 = arith.constant 0 : i32
      %dma_wait3A_188 = arith.constant 0 : i32
      %dma_wait3A_189 = tpu.memref_slice %arg7[%dma_wait3A_186, %dma_wait3A_187, %dma_wait3A_188] : memref<8x50x128xf32, #tpu.memory_space<vmem>> -> memref<1x50x128xf32, #tpu.memory_space<vmem>>
      %dma_wait3A_190 = tpu.memref_squeeze %dma_wait3A_189 : memref<1x50x128xf32, #tpu.memory_space<vmem>> -> memref<50x128xf32, #tpu.memory_space<vmem>>
      %dma_wait3A_191 = arith.constant 0 : i32
      %dma_wait3A_192 = tpu.memref_slice %arg5[%dma_wait3A_185, %dma_wait3A_191] : memref<8x50xi32, #tpu.memory_space<vmem>> -> memref<1x50xi32, #tpu.memory_space<vmem>>
      %dma_wait3A_193 = tpu.memref_squeeze %dma_wait3A_192 : memref<1x50xi32, #tpu.memory_space<vmem>> -> memref<50xi32, #tpu.memory_space<vmem>>
      %dma_wait3A_194 = arith.constant 0 : i32
      %dma_wait3A_195 = arith.constant 0 : i32
      %dma_wait3A_196 = tpu.memref_slice %arg2[%dma_wait3A_194, %dma_wait3A_195] : memref<1000001x128xf32, #tpu.memory_space<hbm>> -> memref<1000001x128xf32, #tpu.memory_space<hbm>>
      tpu.wait_indirect_dma semaphore(%arg9 : memref<!tpu.dma_semaphore, #tpu.memory_space<semaphore_mem>>) src(%dma_wait3A_196 : memref<1000001x128xf32, #tpu.memory_space<hbm>>) dst(%dma_wait3A_190 : memref<50x128xf32, #tpu.memory_space<vmem>>)
      %dma_wait3A_197 = arith.constant 6 : i32
      %dma_wait3A_198 = arith.constant 6 : i32
      %dma_wait3A_199 = arith.constant 0 : i32
      %dma_wait3A_200 = arith.constant 0 : i32
      %dma_wait3A_201 = tpu.memref_slice %arg7[%dma_wait3A_198, %dma_wait3A_199, %dma_wait3A_200] : memref<8x50x128xf32, #tpu.memory_space<vmem>> -> memref<1x50x128xf32, #tpu.memory_space<vmem>>
      %dma_wait3A_202 = tpu.memref_squeeze %dma_wait3A_201 : memref<1x50x128xf32, #tpu.memory_space<vmem>> -> memref<50x128xf32, #tpu.memory_space<vmem>>
      %dma_wait3A_203 = arith.constant 0 : i32
      %dma_wait3A_204 = tpu.memref_slice %arg5[%dma_wait3A_197, %dma_wait3A_203] : memref<8x50xi32, #tpu.memory_space<vmem>> -> memref<1x50xi32, #tpu.memory_space<vmem>>
      %dma_wait3A_205 = tpu.memref_squeeze %dma_wait3A_204 : memref<1x50xi32, #tpu.memory_space<vmem>> -> memref<50xi32, #tpu.memory_space<vmem>>
      %dma_wait3A_206 = arith.constant 0 : i32
      %dma_wait3A_207 = arith.constant 0 : i32
      %dma_wait3A_208 = tpu.memref_slice %arg2[%dma_wait3A_206, %dma_wait3A_207] : memref<1000001x128xf32, #tpu.memory_space<hbm>> -> memref<1000001x128xf32, #tpu.memory_space<hbm>>
      tpu.wait_indirect_dma semaphore(%arg9 : memref<!tpu.dma_semaphore, #tpu.memory_space<semaphore_mem>>) src(%dma_wait3A_208 : memref<1000001x128xf32, #tpu.memory_space<hbm>>) dst(%dma_wait3A_202 : memref<50x128xf32, #tpu.memory_space<vmem>>)
      %dma_wait3A_209 = arith.constant 7 : i32
      %dma_wait3A_210 = arith.constant 7 : i32
      %dma_wait3A_211 = arith.constant 0 : i32
      %dma_wait3A_212 = arith.constant 0 : i32
      %dma_wait3A_213 = tpu.memref_slice %arg7[%dma_wait3A_210, %dma_wait3A_211, %dma_wait3A_212] : memref<8x50x128xf32, #tpu.memory_space<vmem>> -> memref<1x50x128xf32, #tpu.memory_space<vmem>>
      %dma_wait3A_214 = tpu.memref_squeeze %dma_wait3A_213 : memref<1x50x128xf32, #tpu.memory_space<vmem>> -> memref<50x128xf32, #tpu.memory_space<vmem>>
      %dma_wait3A_215 = arith.constant 0 : i32
      %dma_wait3A_216 = tpu.memref_slice %arg5[%dma_wait3A_209, %dma_wait3A_215] : memref<8x50xi32, #tpu.memory_space<vmem>> -> memref<1x50xi32, #tpu.memory_space<vmem>>
      %dma_wait3A_217 = tpu.memref_squeeze %dma_wait3A_216 : memref<1x50xi32, #tpu.memory_space<vmem>> -> memref<50xi32, #tpu.memory_space<vmem>>
      %dma_wait3A_218 = arith.constant 0 : i32
      %dma_wait3A_219 = arith.constant 0 : i32
      %dma_wait3A_220 = tpu.memref_slice %arg2[%dma_wait3A_218, %dma_wait3A_219] : memref<1000001x128xf32, #tpu.memory_space<hbm>> -> memref<1000001x128xf32, #tpu.memory_space<hbm>>
      tpu.wait_indirect_dma semaphore(%arg9 : memref<!tpu.dma_semaphore, #tpu.memory_space<semaphore_mem>>) src(%dma_wait3A_220 : memref<1000001x128xf32, #tpu.memory_space<hbm>>) dst(%dma_wait3A_214 : memref<50x128xf32, #tpu.memory_space<vmem>>)
      %dma_start3A_221 = arith.constant 0 : i32
      %dma_start3A_222 = arith.constant 0 : i32
      %dma_start3A_223 = tpu.memref_slice %arg4[%add3A_27, %dma_start3A_221, %dma_start3A_222] : memref<16384x50x128xf32, #tpu.memory_space<hbm>> -> memref<8x50x128xf32, #tpu.memory_space<hbm>>
      %dma_start3A_224 = arith.constant 0 : i32
      %dma_start3A_225 = arith.constant 0 : i32
      %dma_start3A_226 = tpu.memref_slice %arg4[%add3A_27, %dma_start3A_224, %dma_start3A_225] : memref<16384x50x128xf32, #tpu.memory_space<hbm>> -> memref<8x50x128xf32, #tpu.memory_space<hbm>>
      tpu.enqueue_dma source(%arg7 : memref<8x50x128xf32, #tpu.memory_space<vmem>>) target(%dma_start3A_226 : memref<8x50x128xf32, #tpu.memory_space<hbm>>) target_semaphore(%arg10 : memref<!tpu.dma_semaphore, #tpu.memory_space<semaphore_mem>>)
      %mul3A_227 = arith.constant 2 : i32
      %mul3A_228 = arith.muli %mul3A_227, %add3A_22 : i32
      %add3A_229 = arith.constant 1 : i32
      %add3A_230 = arith.addi %mul3A_228, %add3A_229 : i32
      %mul3A_231 = arith.constant 8 : i32
      %mul3A_232 = arith.muli %add3A_230, %mul3A_231 : i32
      %add3A_233 = arith.addi %mul3A_2, %mul3A_232 : i32
      %ge3A_234 = arith.constant 2 : i32
      %ge3A_235 = arith.cmpi sge, %add3A_230, %ge3A_234 : i32
      %convert_element_type3A_236 = arith.extui %ge3A_235 : i1 to i32
      %cond3A_237 = arith.constant 0 : i32
      %cond3A_238 = arith.cmpi ne, %convert_element_type3A_236, %cond3A_237 : i32
      scf.if %cond3A_238 {
        %dma_wait3A_437 = arith.constant 0 : i32
        %dma_wait3A_438 = arith.constant 0 : i32
        %dma_wait3A_439 = tpu.memref_slice %arg4[%mul3A_2, %dma_wait3A_437, %dma_wait3A_438] : memref<16384x50x128xf32, #tpu.memory_space<hbm>> -> memref<8x50x128xf32, #tpu.memory_space<hbm>>
        %dma_wait3A_440 = arith.constant 0 : i32
        %dma_wait3A_441 = arith.constant 0 : i32
        %dma_wait3A_442 = tpu.memref_slice %arg4[%mul3A_2, %dma_wait3A_440, %dma_wait3A_441] : memref<16384x50x128xf32, #tpu.memory_space<hbm>> -> memref<8x50x128xf32, #tpu.memory_space<hbm>>
        tpu.wait_dma2 semaphore(%arg10 : memref<!tpu.dma_semaphore, #tpu.memory_space<semaphore_mem>>) src(%arg8 : memref<8x50x128xf32, #tpu.memory_space<vmem>>) dst(%dma_wait3A_442 : memref<8x50x128xf32, #tpu.memory_space<hbm>>)
      } else {
      }
      "tpu.region"() ({
        %run_scoped3A = tpu.sem_alloc : memref<!tpu.dma_semaphore, #tpu.memory_space<semaphore_mem>>
        %dma_start3A_437 = arith.constant 0 : i32
        %dma_start3A_438 = tpu.memref_slice %arg3[%add3A_233, %dma_start3A_437] : memref<16384x50xi32, #tpu.memory_space<hbm>> -> memref<8x50xi32, #tpu.memory_space<hbm>>
        %dma_start3A_439 = arith.constant 0 : i32
        %dma_start3A_440 = tpu.memref_slice %arg3[%add3A_233, %dma_start3A_439] : memref<16384x50xi32, #tpu.memory_space<hbm>> -> memref<8x50xi32, #tpu.memory_space<hbm>>
        tpu.enqueue_dma source(%dma_start3A_440 : memref<8x50xi32, #tpu.memory_space<hbm>>) target(%arg6 : memref<8x50xi32, #tpu.memory_space<vmem>>) target_semaphore(%run_scoped3A : memref<!tpu.dma_semaphore, #tpu.memory_space<semaphore_mem>>)
        %dma_wait3A_441 = arith.constant 0 : i32
        %dma_wait3A_442 = tpu.memref_slice %arg3[%add3A_233, %dma_wait3A_441] : memref<16384x50xi32, #tpu.memory_space<hbm>> -> memref<8x50xi32, #tpu.memory_space<hbm>>
        %dma_wait3A_443 = arith.constant 0 : i32
        %dma_wait3A_444 = tpu.memref_slice %arg3[%add3A_233, %dma_wait3A_443] : memref<16384x50xi32, #tpu.memory_space<hbm>> -> memref<8x50xi32, #tpu.memory_space<hbm>>
        tpu.wait_dma2 semaphore(%run_scoped3A : memref<!tpu.dma_semaphore, #tpu.memory_space<semaphore_mem>>) src(%dma_wait3A_444 : memref<8x50xi32, #tpu.memory_space<hbm>>) dst(%arg6 : memref<8x50xi32, #tpu.memory_space<vmem>>)
        tpu.yield
      }) : () -> ()
      %dma_start3A_239 = arith.constant 0 : i32
      %dma_start3A_240 = arith.constant 0 : i32
      %dma_start3A_241 = arith.constant 0 : i32
      %dma_start3A_242 = arith.constant 0 : i32
      %dma_start3A_243 = tpu.memref_slice %arg8[%dma_start3A_240, %dma_start3A_241, %dma_start3A_242] : memref<8x50x128xf32, #tpu.memory_space<vmem>> -> memref<1x50x128xf32, #tpu.memory_space<vmem>>
      %dma_start3A_244 = tpu.memref_squeeze %dma_start3A_243 : memref<1x50x128xf32, #tpu.memory_space<vmem>> -> memref<50x128xf32, #tpu.memory_space<vmem>>
      %dma_start3A_245 = arith.constant 0 : i32
      %dma_start3A_246 = tpu.memref_slice %arg6[%dma_start3A_239, %dma_start3A_245] : memref<8x50xi32, #tpu.memory_space<vmem>> -> memref<1x50xi32, #tpu.memory_space<vmem>>
      %dma_start3A_247 = tpu.memref_squeeze %dma_start3A_246 : memref<1x50xi32, #tpu.memory_space<vmem>> -> memref<50xi32, #tpu.memory_space<vmem>>
      %dma_start3A_248 = arith.constant 0 : i32
      %dma_start3A_249 = arith.constant 0 : i32
      %dma_start3A_250 = tpu.memref_slice %arg2[%dma_start3A_248, %dma_start3A_249] : memref<1000001x128xf32, #tpu.memory_space<hbm>> -> memref<1000001x128xf32, #tpu.memory_space<hbm>>
      tpu.enqueue_indirect_dma source(%dma_start3A_250 : memref<1000001x128xf32, #tpu.memory_space<hbm>>) target(%dma_start3A_244 : memref<50x128xf32, #tpu.memory_space<vmem>>) offsets(%dma_start3A_247 : memref<50xi32, #tpu.memory_space<vmem>>) semaphore(%arg9 : memref<!tpu.dma_semaphore, #tpu.memory_space<semaphore_mem>>)
      %dma_start3A_251 = arith.constant 1 : i32
      %dma_start3A_252 = arith.constant 1 : i32
      %dma_start3A_253 = arith.constant 0 : i32
      %dma_start3A_254 = arith.constant 0 : i32
      %dma_start3A_255 = tpu.memref_slice %arg8[%dma_start3A_252, %dma_start3A_253, %dma_start3A_254] : memref<8x50x128xf32, #tpu.memory_space<vmem>> -> memref<1x50x128xf32, #tpu.memory_space<vmem>>
      %dma_start3A_256 = tpu.memref_squeeze %dma_start3A_255 : memref<1x50x128xf32, #tpu.memory_space<vmem>> -> memref<50x128xf32, #tpu.memory_space<vmem>>
      %dma_start3A_257 = arith.constant 0 : i32
      %dma_start3A_258 = tpu.memref_slice %arg6[%dma_start3A_251, %dma_start3A_257] : memref<8x50xi32, #tpu.memory_space<vmem>> -> memref<1x50xi32, #tpu.memory_space<vmem>>
      %dma_start3A_259 = tpu.memref_squeeze %dma_start3A_258 : memref<1x50xi32, #tpu.memory_space<vmem>> -> memref<50xi32, #tpu.memory_space<vmem>>
      %dma_start3A_260 = arith.constant 0 : i32
      %dma_start3A_261 = arith.constant 0 : i32
      %dma_start3A_262 = tpu.memref_slice %arg2[%dma_start3A_260, %dma_start3A_261] : memref<1000001x128xf32, #tpu.memory_space<hbm>> -> memref<1000001x128xf32, #tpu.memory_space<hbm>>
      tpu.enqueue_indirect_dma source(%dma_start3A_262 : memref<1000001x128xf32, #tpu.memory_space<hbm>>) target(%dma_start3A_256 : memref<50x128xf32, #tpu.memory_space<vmem>>) offsets(%dma_start3A_259 : memref<50xi32, #tpu.memory_space<vmem>>) semaphore(%arg9 : memref<!tpu.dma_semaphore, #tpu.memory_space<semaphore_mem>>)
      %dma_start3A_263 = arith.constant 2 : i32
      %dma_start3A_264 = arith.constant 2 : i32
      %dma_start3A_265 = arith.constant 0 : i32
      %dma_start3A_266 = arith.constant 0 : i32
      %dma_start3A_267 = tpu.memref_slice %arg8[%dma_start3A_264, %dma_start3A_265, %dma_start3A_266] : memref<8x50x128xf32, #tpu.memory_space<vmem>> -> memref<1x50x128xf32, #tpu.memory_space<vmem>>
      %dma_start3A_268 = tpu.memref_squeeze %dma_start3A_267 : memref<1x50x128xf32, #tpu.memory_space<vmem>> -> memref<50x128xf32, #tpu.memory_space<vmem>>
      %dma_start3A_269 = arith.constant 0 : i32
      %dma_start3A_270 = tpu.memref_slice %arg6[%dma_start3A_263, %dma_start3A_269] : memref<8x50xi32, #tpu.memory_space<vmem>> -> memref<1x50xi32, #tpu.memory_space<vmem>>
      %dma_start3A_271 = tpu.memref_squeeze %dma_start3A_270 : memref<1x50xi32, #tpu.memory_space<vmem>> -> memref<50xi32, #tpu.memory_space<vmem>>
      %dma_start3A_272 = arith.constant 0 : i32
      %dma_start3A_273 = arith.constant 0 : i32
      %dma_start3A_274 = tpu.memref_slice %arg2[%dma_start3A_272, %dma_start3A_273] : memref<1000001x128xf32, #tpu.memory_space<hbm>> -> memref<1000001x128xf32, #tpu.memory_space<hbm>>
      tpu.enqueue_indirect_dma source(%dma_start3A_274 : memref<1000001x128xf32, #tpu.memory_space<hbm>>) target(%dma_start3A_268 : memref<50x128xf32, #tpu.memory_space<vmem>>) offsets(%dma_start3A_271 : memref<50xi32, #tpu.memory_space<vmem>>) semaphore(%arg9 : memref<!tpu.dma_semaphore, #tpu.memory_space<semaphore_mem>>)
      %dma_start3A_275 = arith.constant 3 : i32
      %dma_start3A_276 = arith.constant 3 : i32
      %dma_start3A_277 = arith.constant 0 : i32
      %dma_start3A_278 = arith.constant 0 : i32
      %dma_start3A_279 = tpu.memref_slice %arg8[%dma_start3A_276, %dma_start3A_277, %dma_start3A_278] : memref<8x50x128xf32, #tpu.memory_space<vmem>> -> memref<1x50x128xf32, #tpu.memory_space<vmem>>
      %dma_start3A_280 = tpu.memref_squeeze %dma_start3A_279 : memref<1x50x128xf32, #tpu.memory_space<vmem>> -> memref<50x128xf32, #tpu.memory_space<vmem>>
      %dma_start3A_281 = arith.constant 0 : i32
      %dma_start3A_282 = tpu.memref_slice %arg6[%dma_start3A_275, %dma_start3A_281] : memref<8x50xi32, #tpu.memory_space<vmem>> -> memref<1x50xi32, #tpu.memory_space<vmem>>
      %dma_start3A_283 = tpu.memref_squeeze %dma_start3A_282 : memref<1x50xi32, #tpu.memory_space<vmem>> -> memref<50xi32, #tpu.memory_space<vmem>>
      %dma_start3A_284 = arith.constant 0 : i32
      %dma_start3A_285 = arith.constant 0 : i32
      %dma_start3A_286 = tpu.memref_slice %arg2[%dma_start3A_284, %dma_start3A_285] : memref<1000001x128xf32, #tpu.memory_space<hbm>> -> memref<1000001x128xf32, #tpu.memory_space<hbm>>
      tpu.enqueue_indirect_dma source(%dma_start3A_286 : memref<1000001x128xf32, #tpu.memory_space<hbm>>) target(%dma_start3A_280 : memref<50x128xf32, #tpu.memory_space<vmem>>) offsets(%dma_start3A_283 : memref<50xi32, #tpu.memory_space<vmem>>) semaphore(%arg9 : memref<!tpu.dma_semaphore, #tpu.memory_space<semaphore_mem>>)
      %dma_start3A_287 = arith.constant 4 : i32
      %dma_start3A_288 = arith.constant 4 : i32
      %dma_start3A_289 = arith.constant 0 : i32
      %dma_start3A_290 = arith.constant 0 : i32
      %dma_start3A_291 = tpu.memref_slice %arg8[%dma_start3A_288, %dma_start3A_289, %dma_start3A_290] : memref<8x50x128xf32, #tpu.memory_space<vmem>> -> memref<1x50x128xf32, #tpu.memory_space<vmem>>
      %dma_start3A_292 = tpu.memref_squeeze %dma_start3A_291 : memref<1x50x128xf32, #tpu.memory_space<vmem>> -> memref<50x128xf32, #tpu.memory_space<vmem>>
      %dma_start3A_293 = arith.constant 0 : i32
      %dma_start3A_294 = tpu.memref_slice %arg6[%dma_start3A_287, %dma_start3A_293] : memref<8x50xi32, #tpu.memory_space<vmem>> -> memref<1x50xi32, #tpu.memory_space<vmem>>
      %dma_start3A_295 = tpu.memref_squeeze %dma_start3A_294 : memref<1x50xi32, #tpu.memory_space<vmem>> -> memref<50xi32, #tpu.memory_space<vmem>>
      %dma_start3A_296 = arith.constant 0 : i32
      %dma_start3A_297 = arith.constant 0 : i32
      %dma_start3A_298 = tpu.memref_slice %arg2[%dma_start3A_296, %dma_start3A_297] : memref<1000001x128xf32, #tpu.memory_space<hbm>> -> memref<1000001x128xf32, #tpu.memory_space<hbm>>
      tpu.enqueue_indirect_dma source(%dma_start3A_298 : memref<1000001x128xf32, #tpu.memory_space<hbm>>) target(%dma_start3A_292 : memref<50x128xf32, #tpu.memory_space<vmem>>) offsets(%dma_start3A_295 : memref<50xi32, #tpu.memory_space<vmem>>) semaphore(%arg9 : memref<!tpu.dma_semaphore, #tpu.memory_space<semaphore_mem>>)
      %dma_start3A_299 = arith.constant 5 : i32
      %dma_start3A_300 = arith.constant 5 : i32
      %dma_start3A_301 = arith.constant 0 : i32
      %dma_start3A_302 = arith.constant 0 : i32
      %dma_start3A_303 = tpu.memref_slice %arg8[%dma_start3A_300, %dma_start3A_301, %dma_start3A_302] : memref<8x50x128xf32, #tpu.memory_space<vmem>> -> memref<1x50x128xf32, #tpu.memory_space<vmem>>
      %dma_start3A_304 = tpu.memref_squeeze %dma_start3A_303 : memref<1x50x128xf32, #tpu.memory_space<vmem>> -> memref<50x128xf32, #tpu.memory_space<vmem>>
      %dma_start3A_305 = arith.constant 0 : i32
      %dma_start3A_306 = tpu.memref_slice %arg6[%dma_start3A_299, %dma_start3A_305] : memref<8x50xi32, #tpu.memory_space<vmem>> -> memref<1x50xi32, #tpu.memory_space<vmem>>
      %dma_start3A_307 = tpu.memref_squeeze %dma_start3A_306 : memref<1x50xi32, #tpu.memory_space<vmem>> -> memref<50xi32, #tpu.memory_space<vmem>>
      %dma_start3A_308 = arith.constant 0 : i32
      %dma_start3A_309 = arith.constant 0 : i32
      %dma_start3A_310 = tpu.memref_slice %arg2[%dma_start3A_308, %dma_start3A_309] : memref<1000001x128xf32, #tpu.memory_space<hbm>> -> memref<1000001x128xf32, #tpu.memory_space<hbm>>
      tpu.enqueue_indirect_dma source(%dma_start3A_310 : memref<1000001x128xf32, #tpu.memory_space<hbm>>) target(%dma_start3A_304 : memref<50x128xf32, #tpu.memory_space<vmem>>) offsets(%dma_start3A_307 : memref<50xi32, #tpu.memory_space<vmem>>) semaphore(%arg9 : memref<!tpu.dma_semaphore, #tpu.memory_space<semaphore_mem>>)
      %dma_start3A_311 = arith.constant 6 : i32
      %dma_start3A_312 = arith.constant 6 : i32
      %dma_start3A_313 = arith.constant 0 : i32
      %dma_start3A_314 = arith.constant 0 : i32
      %dma_start3A_315 = tpu.memref_slice %arg8[%dma_start3A_312, %dma_start3A_313, %dma_start3A_314] : memref<8x50x128xf32, #tpu.memory_space<vmem>> -> memref<1x50x128xf32, #tpu.memory_space<vmem>>
      %dma_start3A_316 = tpu.memref_squeeze %dma_start3A_315 : memref<1x50x128xf32, #tpu.memory_space<vmem>> -> memref<50x128xf32, #tpu.memory_space<vmem>>
      %dma_start3A_317 = arith.constant 0 : i32
      %dma_start3A_318 = tpu.memref_slice %arg6[%dma_start3A_311, %dma_start3A_317] : memref<8x50xi32, #tpu.memory_space<vmem>> -> memref<1x50xi32, #tpu.memory_space<vmem>>
      %dma_start3A_319 = tpu.memref_squeeze %dma_start3A_318 : memref<1x50xi32, #tpu.memory_space<vmem>> -> memref<50xi32, #tpu.memory_space<vmem>>
      %dma_start3A_320 = arith.constant 0 : i32
      %dma_start3A_321 = arith.constant 0 : i32
      %dma_start3A_322 = tpu.memref_slice %arg2[%dma_start3A_320, %dma_start3A_321] : memref<1000001x128xf32, #tpu.memory_space<hbm>> -> memref<1000001x128xf32, #tpu.memory_space<hbm>>
      tpu.enqueue_indirect_dma source(%dma_start3A_322 : memref<1000001x128xf32, #tpu.memory_space<hbm>>) target(%dma_start3A_316 : memref<50x128xf32, #tpu.memory_space<vmem>>) offsets(%dma_start3A_319 : memref<50xi32, #tpu.memory_space<vmem>>) semaphore(%arg9 : memref<!tpu.dma_semaphore, #tpu.memory_space<semaphore_mem>>)
      %dma_start3A_323 = arith.constant 7 : i32
      %dma_start3A_324 = arith.constant 7 : i32
      %dma_start3A_325 = arith.constant 0 : i32
      %dma_start3A_326 = arith.constant 0 : i32
      %dma_start3A_327 = tpu.memref_slice %arg8[%dma_start3A_324, %dma_start3A_325, %dma_start3A_326] : memref<8x50x128xf32, #tpu.memory_space<vmem>> -> memref<1x50x128xf32, #tpu.memory_space<vmem>>
      %dma_start3A_328 = tpu.memref_squeeze %dma_start3A_327 : memref<1x50x128xf32, #tpu.memory_space<vmem>> -> memref<50x128xf32, #tpu.memory_space<vmem>>
      %dma_start3A_329 = arith.constant 0 : i32
      %dma_start3A_330 = tpu.memref_slice %arg6[%dma_start3A_323, %dma_start3A_329] : memref<8x50xi32, #tpu.memory_space<vmem>> -> memref<1x50xi32, #tpu.memory_space<vmem>>
      %dma_start3A_331 = tpu.memref_squeeze %dma_start3A_330 : memref<1x50xi32, #tpu.memory_space<vmem>> -> memref<50xi32, #tpu.memory_space<vmem>>
      %dma_start3A_332 = arith.constant 0 : i32
      %dma_start3A_333 = arith.constant 0 : i32
      %dma_start3A_334 = tpu.memref_slice %arg2[%dma_start3A_332, %dma_start3A_333] : memref<1000001x128xf32, #tpu.memory_space<hbm>> -> memref<1000001x128xf32, #tpu.memory_space<hbm>>
      tpu.enqueue_indirect_dma source(%dma_start3A_334 : memref<1000001x128xf32, #tpu.memory_space<hbm>>) target(%dma_start3A_328 : memref<50x128xf32, #tpu.memory_space<vmem>>) offsets(%dma_start3A_331 : memref<50xi32, #tpu.memory_space<vmem>>) semaphore(%arg9 : memref<!tpu.dma_semaphore, #tpu.memory_space<semaphore_mem>>)
      %dma_wait3A_335 = arith.constant 0 : i32
      %dma_wait3A_336 = arith.constant 0 : i32
      %dma_wait3A_337 = arith.constant 0 : i32
      %dma_wait3A_338 = arith.constant 0 : i32
      %dma_wait3A_339 = tpu.memref_slice %arg8[%dma_wait3A_336, %dma_wait3A_337, %dma_wait3A_338] : memref<8x50x128xf32, #tpu.memory_space<vmem>> -> memref<1x50x128xf32, #tpu.memory_space<vmem>>
      %dma_wait3A_340 = tpu.memref_squeeze %dma_wait3A_339 : memref<1x50x128xf32, #tpu.memory_space<vmem>> -> memref<50x128xf32, #tpu.memory_space<vmem>>
      %dma_wait3A_341 = arith.constant 0 : i32
      %dma_wait3A_342 = tpu.memref_slice %arg6[%dma_wait3A_335, %dma_wait3A_341] : memref<8x50xi32, #tpu.memory_space<vmem>> -> memref<1x50xi32, #tpu.memory_space<vmem>>
      %dma_wait3A_343 = tpu.memref_squeeze %dma_wait3A_342 : memref<1x50xi32, #tpu.memory_space<vmem>> -> memref<50xi32, #tpu.memory_space<vmem>>
      %dma_wait3A_344 = arith.constant 0 : i32
      %dma_wait3A_345 = arith.constant 0 : i32
      %dma_wait3A_346 = tpu.memref_slice %arg2[%dma_wait3A_344, %dma_wait3A_345] : memref<1000001x128xf32, #tpu.memory_space<hbm>> -> memref<1000001x128xf32, #tpu.memory_space<hbm>>
      tpu.wait_indirect_dma semaphore(%arg9 : memref<!tpu.dma_semaphore, #tpu.memory_space<semaphore_mem>>) src(%dma_wait3A_346 : memref<1000001x128xf32, #tpu.memory_space<hbm>>) dst(%dma_wait3A_340 : memref<50x128xf32, #tpu.memory_space<vmem>>)
      %dma_wait3A_347 = arith.constant 1 : i32
      %dma_wait3A_348 = arith.constant 1 : i32
      %dma_wait3A_349 = arith.constant 0 : i32
      %dma_wait3A_350 = arith.constant 0 : i32
      %dma_wait3A_351 = tpu.memref_slice %arg8[%dma_wait3A_348, %dma_wait3A_349, %dma_wait3A_350] : memref<8x50x128xf32, #tpu.memory_space<vmem>> -> memref<1x50x128xf32, #tpu.memory_space<vmem>>
      %dma_wait3A_352 = tpu.memref_squeeze %dma_wait3A_351 : memref<1x50x128xf32, #tpu.memory_space<vmem>> -> memref<50x128xf32, #tpu.memory_space<vmem>>
      %dma_wait3A_353 = arith.constant 0 : i32
      %dma_wait3A_354 = tpu.memref_slice %arg6[%dma_wait3A_347, %dma_wait3A_353] : memref<8x50xi32, #tpu.memory_space<vmem>> -> memref<1x50xi32, #tpu.memory_space<vmem>>
      %dma_wait3A_355 = tpu.memref_squeeze %dma_wait3A_354 : memref<1x50xi32, #tpu.memory_space<vmem>> -> memref<50xi32, #tpu.memory_space<vmem>>
      %dma_wait3A_356 = arith.constant 0 : i32
      %dma_wait3A_357 = arith.constant 0 : i32
      %dma_wait3A_358 = tpu.memref_slice %arg2[%dma_wait3A_356, %dma_wait3A_357] : memref<1000001x128xf32, #tpu.memory_space<hbm>> -> memref<1000001x128xf32, #tpu.memory_space<hbm>>
      tpu.wait_indirect_dma semaphore(%arg9 : memref<!tpu.dma_semaphore, #tpu.memory_space<semaphore_mem>>) src(%dma_wait3A_358 : memref<1000001x128xf32, #tpu.memory_space<hbm>>) dst(%dma_wait3A_352 : memref<50x128xf32, #tpu.memory_space<vmem>>)
      %dma_wait3A_359 = arith.constant 2 : i32
      %dma_wait3A_360 = arith.constant 2 : i32
      %dma_wait3A_361 = arith.constant 0 : i32
      %dma_wait3A_362 = arith.constant 0 : i32
      %dma_wait3A_363 = tpu.memref_slice %arg8[%dma_wait3A_360, %dma_wait3A_361, %dma_wait3A_362] : memref<8x50x128xf32, #tpu.memory_space<vmem>> -> memref<1x50x128xf32, #tpu.memory_space<vmem>>
      %dma_wait3A_364 = tpu.memref_squeeze %dma_wait3A_363 : memref<1x50x128xf32, #tpu.memory_space<vmem>> -> memref<50x128xf32, #tpu.memory_space<vmem>>
      %dma_wait3A_365 = arith.constant 0 : i32
      %dma_wait3A_366 = tpu.memref_slice %arg6[%dma_wait3A_359, %dma_wait3A_365] : memref<8x50xi32, #tpu.memory_space<vmem>> -> memref<1x50xi32, #tpu.memory_space<vmem>>
      %dma_wait3A_367 = tpu.memref_squeeze %dma_wait3A_366 : memref<1x50xi32, #tpu.memory_space<vmem>> -> memref<50xi32, #tpu.memory_space<vmem>>
      %dma_wait3A_368 = arith.constant 0 : i32
      %dma_wait3A_369 = arith.constant 0 : i32
      %dma_wait3A_370 = tpu.memref_slice %arg2[%dma_wait3A_368, %dma_wait3A_369] : memref<1000001x128xf32, #tpu.memory_space<hbm>> -> memref<1000001x128xf32, #tpu.memory_space<hbm>>
      tpu.wait_indirect_dma semaphore(%arg9 : memref<!tpu.dma_semaphore, #tpu.memory_space<semaphore_mem>>) src(%dma_wait3A_370 : memref<1000001x128xf32, #tpu.memory_space<hbm>>) dst(%dma_wait3A_364 : memref<50x128xf32, #tpu.memory_space<vmem>>)
      %dma_wait3A_371 = arith.constant 3 : i32
      %dma_wait3A_372 = arith.constant 3 : i32
      %dma_wait3A_373 = arith.constant 0 : i32
      %dma_wait3A_374 = arith.constant 0 : i32
      %dma_wait3A_375 = tpu.memref_slice %arg8[%dma_wait3A_372, %dma_wait3A_373, %dma_wait3A_374] : memref<8x50x128xf32, #tpu.memory_space<vmem>> -> memref<1x50x128xf32, #tpu.memory_space<vmem>>
      %dma_wait3A_376 = tpu.memref_squeeze %dma_wait3A_375 : memref<1x50x128xf32, #tpu.memory_space<vmem>> -> memref<50x128xf32, #tpu.memory_space<vmem>>
      %dma_wait3A_377 = arith.constant 0 : i32
      %dma_wait3A_378 = tpu.memref_slice %arg6[%dma_wait3A_371, %dma_wait3A_377] : memref<8x50xi32, #tpu.memory_space<vmem>> -> memref<1x50xi32, #tpu.memory_space<vmem>>
      %dma_wait3A_379 = tpu.memref_squeeze %dma_wait3A_378 : memref<1x50xi32, #tpu.memory_space<vmem>> -> memref<50xi32, #tpu.memory_space<vmem>>
      %dma_wait3A_380 = arith.constant 0 : i32
      %dma_wait3A_381 = arith.constant 0 : i32
      %dma_wait3A_382 = tpu.memref_slice %arg2[%dma_wait3A_380, %dma_wait3A_381] : memref<1000001x128xf32, #tpu.memory_space<hbm>> -> memref<1000001x128xf32, #tpu.memory_space<hbm>>
      tpu.wait_indirect_dma semaphore(%arg9 : memref<!tpu.dma_semaphore, #tpu.memory_space<semaphore_mem>>) src(%dma_wait3A_382 : memref<1000001x128xf32, #tpu.memory_space<hbm>>) dst(%dma_wait3A_376 : memref<50x128xf32, #tpu.memory_space<vmem>>)
      %dma_wait3A_383 = arith.constant 4 : i32
      %dma_wait3A_384 = arith.constant 4 : i32
      %dma_wait3A_385 = arith.constant 0 : i32
      %dma_wait3A_386 = arith.constant 0 : i32
      %dma_wait3A_387 = tpu.memref_slice %arg8[%dma_wait3A_384, %dma_wait3A_385, %dma_wait3A_386] : memref<8x50x128xf32, #tpu.memory_space<vmem>> -> memref<1x50x128xf32, #tpu.memory_space<vmem>>
      %dma_wait3A_388 = tpu.memref_squeeze %dma_wait3A_387 : memref<1x50x128xf32, #tpu.memory_space<vmem>> -> memref<50x128xf32, #tpu.memory_space<vmem>>
      %dma_wait3A_389 = arith.constant 0 : i32
      %dma_wait3A_390 = tpu.memref_slice %arg6[%dma_wait3A_383, %dma_wait3A_389] : memref<8x50xi32, #tpu.memory_space<vmem>> -> memref<1x50xi32, #tpu.memory_space<vmem>>
      %dma_wait3A_391 = tpu.memref_squeeze %dma_wait3A_390 : memref<1x50xi32, #tpu.memory_space<vmem>> -> memref<50xi32, #tpu.memory_space<vmem>>
      %dma_wait3A_392 = arith.constant 0 : i32
      %dma_wait3A_393 = arith.constant 0 : i32
      %dma_wait3A_394 = tpu.memref_slice %arg2[%dma_wait3A_392, %dma_wait3A_393] : memref<1000001x128xf32, #tpu.memory_space<hbm>> -> memref<1000001x128xf32, #tpu.memory_space<hbm>>
      tpu.wait_indirect_dma semaphore(%arg9 : memref<!tpu.dma_semaphore, #tpu.memory_space<semaphore_mem>>) src(%dma_wait3A_394 : memref<1000001x128xf32, #tpu.memory_space<hbm>>) dst(%dma_wait3A_388 : memref<50x128xf32, #tpu.memory_space<vmem>>)
      %dma_wait3A_395 = arith.constant 5 : i32
      %dma_wait3A_396 = arith.constant 5 : i32
      %dma_wait3A_397 = arith.constant 0 : i32
      %dma_wait3A_398 = arith.constant 0 : i32
      %dma_wait3A_399 = tpu.memref_slice %arg8[%dma_wait3A_396, %dma_wait3A_397, %dma_wait3A_398] : memref<8x50x128xf32, #tpu.memory_space<vmem>> -> memref<1x50x128xf32, #tpu.memory_space<vmem>>
      %dma_wait3A_400 = tpu.memref_squeeze %dma_wait3A_399 : memref<1x50x128xf32, #tpu.memory_space<vmem>> -> memref<50x128xf32, #tpu.memory_space<vmem>>
      %dma_wait3A_401 = arith.constant 0 : i32
      %dma_wait3A_402 = tpu.memref_slice %arg6[%dma_wait3A_395, %dma_wait3A_401] : memref<8x50xi32, #tpu.memory_space<vmem>> -> memref<1x50xi32, #tpu.memory_space<vmem>>
      %dma_wait3A_403 = tpu.memref_squeeze %dma_wait3A_402 : memref<1x50xi32, #tpu.memory_space<vmem>> -> memref<50xi32, #tpu.memory_space<vmem>>
      %dma_wait3A_404 = arith.constant 0 : i32
      %dma_wait3A_405 = arith.constant 0 : i32
      %dma_wait3A_406 = tpu.memref_slice %arg2[%dma_wait3A_404, %dma_wait3A_405] : memref<1000001x128xf32, #tpu.memory_space<hbm>> -> memref<1000001x128xf32, #tpu.memory_space<hbm>>
      tpu.wait_indirect_dma semaphore(%arg9 : memref<!tpu.dma_semaphore, #tpu.memory_space<semaphore_mem>>) src(%dma_wait3A_406 : memref<1000001x128xf32, #tpu.memory_space<hbm>>) dst(%dma_wait3A_400 : memref<50x128xf32, #tpu.memory_space<vmem>>)
      %dma_wait3A_407 = arith.constant 6 : i32
      %dma_wait3A_408 = arith.constant 6 : i32
      %dma_wait3A_409 = arith.constant 0 : i32
      %dma_wait3A_410 = arith.constant 0 : i32
      %dma_wait3A_411 = tpu.memref_slice %arg8[%dma_wait3A_408, %dma_wait3A_409, %dma_wait3A_410] : memref<8x50x128xf32, #tpu.memory_space<vmem>> -> memref<1x50x128xf32, #tpu.memory_space<vmem>>
      %dma_wait3A_412 = tpu.memref_squeeze %dma_wait3A_411 : memref<1x50x128xf32, #tpu.memory_space<vmem>> -> memref<50x128xf32, #tpu.memory_space<vmem>>
      %dma_wait3A_413 = arith.constant 0 : i32
      %dma_wait3A_414 = tpu.memref_slice %arg6[%dma_wait3A_407, %dma_wait3A_413] : memref<8x50xi32, #tpu.memory_space<vmem>> -> memref<1x50xi32, #tpu.memory_space<vmem>>
      %dma_wait3A_415 = tpu.memref_squeeze %dma_wait3A_414 : memref<1x50xi32, #tpu.memory_space<vmem>> -> memref<50xi32, #tpu.memory_space<vmem>>
      %dma_wait3A_416 = arith.constant 0 : i32
      %dma_wait3A_417 = arith.constant 0 : i32
      %dma_wait3A_418 = tpu.memref_slice %arg2[%dma_wait3A_416, %dma_wait3A_417] : memref<1000001x128xf32, #tpu.memory_space<hbm>> -> memref<1000001x128xf32, #tpu.memory_space<hbm>>
      tpu.wait_indirect_dma semaphore(%arg9 : memref<!tpu.dma_semaphore, #tpu.memory_space<semaphore_mem>>) src(%dma_wait3A_418 : memref<1000001x128xf32, #tpu.memory_space<hbm>>) dst(%dma_wait3A_412 : memref<50x128xf32, #tpu.memory_space<vmem>>)
      %dma_wait3A_419 = arith.constant 7 : i32
      %dma_wait3A_420 = arith.constant 7 : i32
      %dma_wait3A_421 = arith.constant 0 : i32
      %dma_wait3A_422 = arith.constant 0 : i32
      %dma_wait3A_423 = tpu.memref_slice %arg8[%dma_wait3A_420, %dma_wait3A_421, %dma_wait3A_422] : memref<8x50x128xf32, #tpu.memory_space<vmem>> -> memref<1x50x128xf32, #tpu.memory_space<vmem>>
      %dma_wait3A_424 = tpu.memref_squeeze %dma_wait3A_423 : memref<1x50x128xf32, #tpu.memory_space<vmem>> -> memref<50x128xf32, #tpu.memory_space<vmem>>
      %dma_wait3A_425 = arith.constant 0 : i32
      %dma_wait3A_426 = tpu.memref_slice %arg6[%dma_wait3A_419, %dma_wait3A_425] : memref<8x50xi32, #tpu.memory_space<vmem>> -> memref<1x50xi32, #tpu.memory_space<vmem>>
      %dma_wait3A_427 = tpu.memref_squeeze %dma_wait3A_426 : memref<1x50xi32, #tpu.memory_space<vmem>> -> memref<50xi32, #tpu.memory_space<vmem>>
      %dma_wait3A_428 = arith.constant 0 : i32
      %dma_wait3A_429 = arith.constant 0 : i32
      %dma_wait3A_430 = tpu.memref_slice %arg2[%dma_wait3A_428, %dma_wait3A_429] : memref<1000001x128xf32, #tpu.memory_space<hbm>> -> memref<1000001x128xf32, #tpu.memory_space<hbm>>
      tpu.wait_indirect_dma semaphore(%arg9 : memref<!tpu.dma_semaphore, #tpu.memory_space<semaphore_mem>>) src(%dma_wait3A_430 : memref<1000001x128xf32, #tpu.memory_space<hbm>>) dst(%dma_wait3A_424 : memref<50x128xf32, #tpu.memory_space<vmem>>)
      %dma_start3A_431 = arith.constant 0 : i32
      %dma_start3A_432 = arith.constant 0 : i32
      %dma_start3A_433 = tpu.memref_slice %arg4[%add3A_233, %dma_start3A_431, %dma_start3A_432] : memref<16384x50x128xf32, #tpu.memory_space<hbm>> -> memref<8x50x128xf32, #tpu.memory_space<hbm>>
      %dma_start3A_434 = arith.constant 0 : i32
      %dma_start3A_435 = arith.constant 0 : i32
      %dma_start3A_436 = tpu.memref_slice %arg4[%add3A_233, %dma_start3A_434, %dma_start3A_435] : memref<16384x50x128xf32, #tpu.memory_space<hbm>> -> memref<8x50x128xf32, #tpu.memory_space<hbm>>
      tpu.enqueue_dma source(%arg8 : memref<8x50x128xf32, #tpu.memory_space<vmem>>) target(%dma_start3A_436 : memref<8x50x128xf32, #tpu.memory_space<hbm>>) target_semaphore(%arg10 : memref<!tpu.dma_semaphore, #tpu.memory_space<semaphore_mem>>)
    }
    %scan3A_6 = arith.constant 32 : i32
    %dma_wait3A = arith.constant 0 : i32
    %dma_wait3A_7 = arith.constant 0 : i32
    %dma_wait3A_8 = tpu.memref_slice %arg4[%mul3A_2, %dma_wait3A, %dma_wait3A_7] : memref<16384x50x128xf32, #tpu.memory_space<hbm>> -> memref<8x50x128xf32, #tpu.memory_space<hbm>>
    %dma_wait3A_9 = arith.constant 0 : i32
    %dma_wait3A_10 = arith.constant 0 : i32
    %dma_wait3A_11 = tpu.memref_slice %arg4[%mul3A_2, %dma_wait3A_9, %dma_wait3A_10] : memref<16384x50x128xf32, #tpu.memory_space<hbm>> -> memref<8x50x128xf32, #tpu.memory_space<hbm>>
    tpu.wait_dma2 semaphore(%arg10 : memref<!tpu.dma_semaphore, #tpu.memory_space<semaphore_mem>>) src(%arg7 : memref<8x50x128xf32, #tpu.memory_space<vmem>>) dst(%dma_wait3A_11 : memref<8x50x128xf32, #tpu.memory_space<hbm>>)
    %dma_wait3A_12 = arith.constant 0 : i32
    %dma_wait3A_13 = arith.constant 0 : i32
    %dma_wait3A_14 = tpu.memref_slice %arg4[%mul3A_2, %dma_wait3A_12, %dma_wait3A_13] : memref<16384x50x128xf32, #tpu.memory_space<hbm>> -> memref<8x50x128xf32, #tpu.memory_space<hbm>>
    %dma_wait3A_15 = arith.constant 0 : i32
    %dma_wait3A_16 = arith.constant 0 : i32
    %dma_wait3A_17 = tpu.memref_slice %arg4[%mul3A_2, %dma_wait3A_15, %dma_wait3A_16] : memref<16384x50x128xf32, #tpu.memory_space<hbm>> -> memref<8x50x128xf32, #tpu.memory_space<hbm>>
    tpu.wait_dma2 semaphore(%arg10 : memref<!tpu.dma_semaphore, #tpu.memory_space<semaphore_mem>>) src(%arg8 : memref<8x50x128xf32, #tpu.memory_space<vmem>>) dst(%dma_wait3A_17 : memref<8x50x128xf32, #tpu.memory_space<hbm>>)
    return
  }
}

</mosaic_0001>

<sc_bundles>
// kernel: kernel.3.cloned.1.call-start
scs
__scs_entry_jumppad:
0x0: {  	(pc) =	sbr.rel $0x88, $3  }
0x1: {  	(tag) =	ssettag $0x0;
	lr =	simm.s32 $0x1  }
0x2: {  	[smem:$0x3F9F] =	sst lr;
	_ =	strace $0xD0000000  }
0x3: {  	_ = 	snop  }
0x4: {  	_ = 	snop  }
0x5: {  	_ = 	snop  }
0x6: {  	_ = 	snop  }
0x7: {  	_ = 	snop  }
__scs_overlays_trampoline_lowered:
0x8: {  	[smem:$0x3FAE] =	sst s0  }
0x9: {  	[smem:$0x3FAF] =	sst s1  }
0xa: {  	[smem:$0x3FB0] =	sst s2  }
0xb: {  	[smem:$0x3FB1] =	sst s3  }
0xc: {  	[smem:$0x3FB2] =	sst s4  }
0xd: {  	[smem:$0x3FB3] =	sst s5  }
0xe: {  	[smem:$0x3FB4] =	sst s6  }
0xf: {  	[smem:$0x3FB5] =	sst s7  }
0x10: {  	[smem:$0x3FB6] =	sst s8  }
0x11: {  	[smem:$0x3FB7] =	sst s9;
	s0 =	simm.s32 @!p0 $0x0  }
0x12: {  	s1 =	sld [smem:$0x3F9D];
	s0 =	simm.s32 @p0 $0x1  }
0x13: {  	[smem:$0x3FB8] =	sst s0;
	s0 =	simm.s32 @!p1 $0x0  }
0x14: {  	s2 =	sld [smem:$0x3F9C];
	s0 =	simm.s32 @p1 $0x1  }
0x15: {  	[smem:$0x3FB9] =	sst s0;
	s0 =	simm.s32 @!p2 $0x0  }
0x16: {  	s3 =	sld [smem:$0x3FDB];
	s0 =	simm.s32 @p2 $0x1  }
0x17: {  	s4 =	simm.s32 $0x1BF5;
	[smem:$0x3FBB] =	sst s0  }
0x18: {  	s0 =	sld [smem:$0x3F9E];
	_ =	swait.ge [sflag:s4], $0x0  }
0x19: {  	s7 =	sld [smem:$0x3F9F]  }
0x1a: {  	s8 =	sadd.s32 $0xFFFFE003, lr  }
0x1b: {  	s9 =	sadd.s32 $0xFFFFFEF7, lr;
	s5 =	simm.s32 $0xFFFFFFFF;
	p2 =	slt.u32 s8, $0xFFFFF086  }
0x1c: {  	p1 =	slt.u32 s9, $0xF7A;
	s5 =	simm.s32 @!p2 $0x0  }
0x1d: {  	s5 =	simm.s32 @p1 $0x1;
	p0 =	seq.s32 s7, s2  }
0x1e: {  	s7 =	smul.u32 @!p0 $0xF7A, s2;
	p2 =	seq.s32 @!p0 s5, $0x0  }
0x1f: {  	s9 =	smul.u32 $0xF7A, s1;
	s8 =	simm.s32 @!p0 $0x1BF5;
	p2 =	por !p2, p0  }
0x20: {  	[sflag:s8] =	ssyncset.s32 @!p0 $0xFFFFF086;
	s6 =	sadd.s32 @!p0 s3, s7;
	s7 =	simm.s32 @!p0 $0x108  }
0x21: {  	s3 =	sadd.s32 s3, s9;
	s6 =	sadd.s32 @!p0 $0x88, s6;
	s7 =	simm.s32 @p2 $0x1082  }
0x22: {  	[simem:s7], [sflag:s8] =	dma.local @!p0 [hbm:s6], $0xF7A  }
0x23: {  	s9 =	sor.u32 $0xD0000000, s2;
	s6 =	simm.s32 $0x108;
	_ =	swait.ge @!p0 [sflag:s8], $0x0  }
0x24: {  	s3 =	sadd.s32 $0x88, s3;
	s6 =	simm.s32 @!p1 $0x1082;
	[sflag:s4] =	ssyncset.s32 $0xFFFFF086  }
0x25: {  	[simem:s6], [sflag:s4] =	dma.local [hbm:s3], $0xF7A  }
0x26: {  	[smem:$0x3F9F] =	sst s1;
	(tag) =	ssettag s2;
	_ =	strace s9  }
0x27: {  	s1 =	sld [smem:$0x3FAF]  }
0x28: {  	s2 =	sld [smem:$0x3FB0]  }
0x29: {  	s4 =	sld [smem:$0x3FB2]  }
0x2a: {  	p0 =	seq.s32 s5, $0x0;
	s5 =	sld [smem:$0x3FB3]  }
0x2b: {  	s6 =	sld [smem:$0x3FB4]  }
0x2c: {  	s7 =	sld [smem:$0x3FB5]  }
0x2d: {  	s3 =	simm.s32 $0x108;
	s8 =	sld [smem:$0x3FB6]  }
0x2e: {  	s3 =	simm.s32 @!p0 $0x1082;
	s9 =	sld [smem:$0x3FB7]  }
0x2f: {  	lr =	sadd.s32 s0, s3;
	s0 =	sld [smem:$0x3FAE]  }
0x30: {  	s3 =	sld [smem:$0x3FB1]  }
0x31: {  	[smem:$0x3FBA] =	sst s10  }
0x32: {  	s10 =	sld [smem:$0x3FB8];
	_ =	sdelay $0x3  }
0x33: {  	p0 =	seq.s32 s10, $0x1;
	s10 =	sld [smem:$0x3FBA];
	_ =	sdelay $0x3  }
0x34: {  	[smem:$0x3FBA] =	sst s10  }
0x35: {  	s10 =	sld [smem:$0x3FB9];
	_ =	sdelay $0x3  }
0x36: {  	p1 =	seq.s32 s10, $0x1;
	s10 =	sld [smem:$0x3FBA];
	_ =	sdelay $0x3  }
0x37: {  	[smem:$0x3FBA] =	sst s10  }
0x38: {  	s10 =	sld [smem:$0x3FBB]  }
0x39: {  	_ = 	snop;
	(pc) =	sbr.ind lr, $3  }
0x3a: {  	_ = 	snop  }
0x3b: {  	_ = 	snop  }
0x3c: {  	p2 =	seq.s32 s10, $0x1;
	s10 =	sld [smem:$0x3FBA]  }
0x3d: {  	_ =	shalt  }
0x3e: {  	_ =	shalt  }
0x3f: {  	_ =	shalt  }
0x40: {  	_ =	shalt  }
0x41: {  	_ =	shalt  }
0x42: {  	_ =	shalt  }
0x43: {  	_ =	shalt  }
0x44: {  	_ =	shalt  }
0x45: {  	_ =	shalt  }
0x46: {  	_ =	shalt  }
0x47: {  	_ =	shalt  }
0x48: {  	_ =	shalt  }
0x49: {  	_ =	shalt  }
0x4a: {  	_ =	shalt  }
0x4b: {  	_ =	shalt  }
0x4c: {  	_ =	shalt  }
0x4d: {  	_ =	shalt  }
0x4e: {  	_ =	shalt  }
0x4f: {  	_ =	shalt  }
0x50: {  	_ =	shalt  }
0x51: {  	_ =	shalt  }
0x52: {  	_ =	shalt  }
0x53: {  	_ =	shalt  }
0x54: {  	_ =	shalt  }
0x55: {  	_ =	shalt  }
0x56: {  	_ =	shalt  }
0x57: {  	_ =	shalt  }
0x58: {  	_ =	shalt  }
0x59: {  	_ =	shalt  }
0x5a: {  	_ =	shalt  }
0x5b: {  	_ =	shalt  }
0x5c: {  	_ =	shalt  }
0x5d: {  	_ =	shalt  }
0x5e: {  	_ =	shalt  }
0x5f: {  	_ =	shalt  }
0x60: {  	_ =	shalt  }
0x61: {  	_ =	shalt  }
0x62: {  	_ =	shalt  }
0x63: {  	_ =	shalt  }
0x64: {  	_ =	shalt  }
0x65: {  	_ =	shalt  }
0x66: {  	_ =	shalt  }
0x67: {  	_ =	shalt  }
0x68: {  	_ =	shalt  }
0x69: {  	_ =	shalt  }
0x6a: {  	_ =	shalt  }
0x6b: {  	_ =	shalt  }
0x6c: {  	_ =	shalt  }
0x6d: {  	_ =	shalt  }
0x6e: {  	_ =	shalt  }
0x6f: {  	_ =	shalt  }
0x70: {  	_ =	shalt  }
0x71: {  	_ =	shalt  }
0x72: {  	_ =	shalt  }
0x73: {  	_ =	shalt  }
0x74: {  	_ =	shalt  }
0x75: {  	_ =	shalt  }
0x76: {  	_ =	shalt  }
0x77: {  	_ =	shalt  }
0x78: {  	_ =	shalt  }
0x79: {  	_ =	shalt  }
0x7a: {  	_ =	shalt  }
0x7b: {  	_ =	shalt  }
0x7c: {  	_ =	shalt  }
0x7d: {  	_ =	shalt  }
0x7e: {  	_ =	shalt  }
0x7f: {  	_ =	shalt  }
0x80: {  	_ =	shalt  }
0x81: {  	_ =	shalt  }
0x82: {  	_ =	shalt  }
0x83: {  	_ =	shalt  }
0x84: {  	_ =	shalt  }
0x85: {  	_ =	shalt  }
0x86: {  	_ =	shalt  }
0x87: {  	_ =	shalt  }
.Lfunc_end0:
.L_simem_size_0:
called_computation.1_lowered:
.L_overlay_start_0:
0x88: {  	s2 =	sld [smem:$0x3FD9]  }
0x89: {  	s3 =	sld [smem:$0x3FFE];
	_ =	sdelay $0x1  }
0x8a: {  	s1 =	srdreg.scid  }
0x8b: {  	s0 =	sand.u32 $0x1, s1  }
0x8c: {  	s17 =	sshll.u32 s0, $0xA;
	s2 =	sadd.s32 s3, s2  }
0x8d: {  	s2 =	sadd.s32 s2, s17  }
0x8e: {  	[smem:$0x3FC6] =	sst s2  }
0x8f: {  	_ = 	snop  }
0x90: {  	s2 =	sld [smem:$0x3FD0];
	(tm) =	ssettm $0x1  }
0x91: {  	s18 =	sld [smem:$0x3FFB];
	_ =	sdelay $0x3  }
0x92: {  	_ =	strace s18  }
0x93: {  	s3 =	sld [smem:$0x3FFC];
	_ =	sdelay $0x3  }
0x94: {  	_ =	strace s3  }
0x95: {  	s3 =	sld [smem:$0x3FFD];
	_ =	sdelay $0x3  }
0x96: {  	_ =	strace s3  }
0x97: {  	_ =	strace $0x8FFFFFFF  }
0x98: {  	s19 =	sld [smem:$0x3FDB];
	_ =	sdelay $0x1  }
0x99: {  	s4 =	simm.s32 $_scs_section_size  }
0x9a: {  	s5 =	simm.s32 $_size__tile_overlayer_lowered;
	s6 =	simm.s32 $_tile_overlayer_lowered  }
0x9b: {  	s22 =	simm.s32 $0x1BFF;
	s21 =	sshll.u32 s6, $0x1;
	s3 =	sadd.s32 s4, s19  }
0x9c: {  	s7 =	simm.s32 $0x0;
	s20 =	sshll.u32 s5, $0x1;
	s5 =	sadd.s32 s21, s3  }
0x9d: {  	[timem:s7], [sflag:s22] =	dma.local [hbm:s5], s20  }
0x9e: {  	_ =	swait.ge [sflag:s22], s20  }
0x9f: {  	s4 =	ssub.s32 $0x0, s20;
	[sflag:s22] =	ssyncset.done $0x0  }
0xa0: {  	[sflag:s22] =	ssyncadd.s32 s4;
	_ =	sdelay $0x1  }
0xa1: {  	s23 =	simm.s32 $0x1B8B  }
0xa2: {  	_ =	swait.ge [sflag:s23], $0x1  }
0xa3: {  	[sflag:s23] =	ssyncset.done $0x0  }
0xa4: {  	s25 =	simm.s32 $0x1B8E;
	s24 =	sld [smem:$0x3FFE];
	[sflag:s23] =	ssyncadd.s32 $0xFFFFFFFF  }
0xa5: {  	s26 =	simm.s32 $execute0_lowered;
	[smem:$0x3FD2] =	sst s25  }
0xa6: {  	s5 =	sshll.u32 s26, $0x1;
	_ =	strace $0x80000046;
	[dreg:$0x1] =	wrdreg $0xFFFFFFFF  }
0xa7: {  	s28 =	simm.s32 $_size_execute0_lowered;
	s3 =	sadd.s32 s3, s5;
	[dreg:$0x0] =	wrdreg $0x0  }
0xa8: {  	s5 =	sshll.u32 s28, $0x1;
	[dreg:$0x2] =	wrdreg s3  }
0xa9: {  	[dreg:$0x3] =	wrdreg s5  }
0xaa: {  	[dreg:$0x4] =	wrdreg $0xC0  }
0xab: {  	_ =	task [dreg:s7], $0x5FFFF  }
0xac: {  	[dreg:$0x1] =	wrdreg $0xFFFFFFFF  }
0xad: {  	[dreg:$0x0] =	wrdreg $0x60  }
0xae: {  	[dreg:$0x2] =	wrdreg s24  }
0xaf: {  	[dreg:$0x3] =	wrdreg s2  }
0xb0: {  	[dreg:$0x4] =	wrdreg $0x9  }
0xb1: {  	_ =	task.clear_ibuf [dreg:s7], $0x5FFFF;
	_ =	strace $0x90000046  }
0xb2: {  	s29 =	simm.s32 $0x9;
	_ =	strace $0x80000048  }
0xb3: {  	_ =	swait.ge [sflag:s29], $0x1  }
0xb4: {  	[sflag:s29] =	ssyncadd.s32 $0xFFFFFFFF  }
0xb5: {  	_ =	strace $0x90000048  }
0xb6: {  	_ =	sfence  }
0xb7: {  	s30 =	sld [smem:$0x0];
	_ =	sdelay $0x2  }
0xb8: {  	s31 =	sshll.u32 s1, $0xD;
	s1 =	sshrl.u32 s1, $0x2  }
0xb9: {  	s3 =	sand.u32 $0x4000, s31;
	s1 =	sadd.s32 s1, s30  }
0xba: {  	s0 =	sor.u32 s3, s0;
	s1 =	sshll.u32 s1, $0x11  }
0xbb: {  	s0 =	sor.u32 s1, s0  }
0xbc: {  	s0 =	sadd.s32 $0x8F2B, s0  }
0xbd: {  	[sflag:s0] =	ssyncadd.remote.s32 $0x1  }
0xbe: {  	_ =	sfence.sel $0xFFFF  }
0xbf: {  	[dreg:$0x0] =	wrdreg $0xFFFFFFFF;
	(pc) =	sbr.abs _section_cstart, $3  }
0xc0: {  	[dreg:$0x1] =	wrdreg $0xFFFFFFFF  }
0xc1: {  	_ =	task.clear_ibuf [dreg:s7], $0x2FFFF;
	_ =	strace $0x9FFFFFFF  }
0xc2: {  	(tm) =	ssettm $0x7FFFFFFF  }
0xc3: {  	_ =	shalt  }
tec
execute0_lowered:
.L_overlay_start_1:
0x0: {  	(tag) =	ssettag $0x1  }
0x1: {  	s0 =	rddreg [dreg:$0x0]  }
0x2: {  	s2 =	rddreg [dreg:$0x1];
	s1 =	simm.s32 $0x0;
	s3 =	srdreg.scid  }
0x3: {  	s8 =	stileid.u32;
	s16 =	simm.s32 $0x80;
	s17 =	simm.s32 $0x100  }
0x4: {  	s18 =	simm.s32 $0x180;
	s19 =	simm.s32 $0x200;
	s10 =	simm.s32 $0x4000  }
0x5: {  	s20 =	simm.s32 $0x280;
	s11 =	simm.s32 $0x5C00;
	s21 =	simm.s32 $0x300  }
0x6: {  	s12 =	simm.s32 $0x7800;
	s22 =	simm.s32 $0x380;
	[smem:$0x7FF] =	sst s1  }
0x7: {  	s13 =	simm.s32 $0x9400;
	_ =	strace $0x80000047;
	[dreg:$0x4] =	wrdreg s16  }
0x8: {  	s23 =	simm.s32 $0x480;
	s24 =	simm.s32 $0x500;
	[dreg:$0x5] =	wrdreg s17  }
0x9: {  	s25 =	simm.s32 $0x580;
	s26 =	simm.s32 $0x600;
	[dreg:$0x6] =	wrdreg s18  }
0xa: {  	s29 =	simm.s32 $0x680;
	s30 =	simm.s32 $0x700;
	[dreg:$0x7] =	wrdreg s19  }
0xb: {  	s31 =	simm.s32 $0x780;
	s28 =	simm.s32 $0x0;
	[dreg:$0x8] =	wrdreg s20  }
0xc: {  	s4 =	sand.u32 $0x1, s3;
	s3 =	sadd.s32 $0xF43000, s0;
	[dreg:$0x9] =	wrdreg s21  }
0xd: {  	s6 =	smul.u32 $0xE0000, s8;
	s8 =	sshll.u32 s8, $0xE;
	[dreg:$0xa] =	wrdreg s22  }
0xe: {  	s5 =	ssub.s32 $0x2, s4;
	s2 =	sadd.s32 s8, s2;
	[dreg:$0xb] =	wrdreg s23  }
0xf: {  	s14 =	sshll.u32 s4, $0xD;
	s9 =	smul.u32 $0x70000, s4;
	[dreg:$0xc] =	wrdreg s24  }
0x10: {  	s8 =	simm.s32 $0x800;
	s16 =	simm.s32 $0x1;
	[dreg:$0xd] =	wrdreg s25  }
0x11: {  	s17 =	simm.s32 $0x400;
	s18 =	simm.s32 $0xE800;
	[dreg:$0xe] =	wrdreg s26  }
0x12: {  	s19 =	simm.s32 $0x10400;
	s20 =	simm.s32 $0x12000;
	[dreg:$0xf] =	wrdreg s29  }
0x13: {  	s21 =	simm.s32 $0x13C00;
	s22 =	simm.s32 $0x15800;
	[dreg:$0x10] =	wrdreg s30  }
0x14: {  	s23 =	simm.s32 $0x17400;
	s24 =	simm.s32 $0x19000;
	[dreg:$0x11] =	wrdreg s31  }
0x15: {  	s25 =	simm.s32 $0x1AC00;
	s7 =	sshrl.u32 s5, $0x1;
	s0 =	sadd.s32 s6, s0  }
0x16: {  	s2 =	sadd.s32 s14, s2;
	s6 =	simm.s32 $0x3;
	s14 =	simm.s32 $0xB000  }
0x17: {  	s15 =	ssub.s32 s5, s7;
	[dreg:$0x3] =	wrdreg s2;
	s0 =	sadd.s32 s9, s0  }
0x18: {  	s7 =	simm.s32 $0x32;
	s9 =	simm.s32 $0x2400;
	s4 =	smax.u32 s15, $0x1  }
0x19: {  	s5 =	sadd.s32 $0x2600, s0;
	s15 =	simm.s32 $0xCC00;
	[dreg:$0x12] =	wrdreg s4  }
.LBB2_1:
0x1a: {  	p0 =	por $0x1, $0x1  }
0x1b: {  	p0 =	por p0, p0  }
0x1c: {  	s0 =	simm.s32 @!p0 $0x2  }
0x1d: {  	_ =	swait.ge @!p0 [sflag:s0], $0xC800  }
0x1e: {  	s2 =	rddreg [dreg:$0x3];
	[sflag:s0] =	ssyncset.done @!p0 $0x0  }
0x1f: {  	[sflag:s0] =	ssyncadd.s32 @!p0 $0xFFFF3800;
	s2 =	sadd.s32 $0x0, s2  }
0x20: {  	[tilespmem:s1], [sflag:$0x3] =	stream.linear.gather [hbm4b:s2+s1], $0x400, $0x38;
	[tilespmem:$0x1C800] =	vst v63  }
0x21: {  	_ =	swait.ge [sflag:s6], $0x400  }
0x22: {  	[sflag:s6] =	ssyncset.done $0x0  }
0x23: {  	[sflag:s6] =	ssyncadd.s32 $0xFFFFFC00  }
0x24: {  	[tilespmem:s8], [sflag:$0x1] =	stream.indirect.gather [hbm4b:s3+s7], $0x80, s1, s7, $0xb8;
	[tilespmem:$0x1C800] =	vst v63  }
0x25: {  	s29 =	rddreg [dreg:$0x4]  }
0x26: {  	[tilespmem:s9], [sflag:$0x1] =	stream.indirect.gather [hbm4b:s3+s7], $0x80, s29, s7, $0xb8;
	[tilespmem:$0x1C800] =	vst v63  }
0x27: {  	s30 =	rddreg [dreg:$0x5]  }
0x28: {  	[tilespmem:s10], [sflag:$0x1] =	stream.indirect.gather [hbm4b:s3+s7], $0x80, s30, s7, $0xb8;
	[tilespmem:$0x1C800] =	vst v63  }
0x29: {  	s29 =	rddreg [dreg:$0x6]  }
0x2a: {  	[tilespmem:s11], [sflag:$0x1] =	stream.indirect.gather [hbm4b:s3+s7], $0x80, s29, s7, $0xb8;
	[tilespmem:$0x1C800] =	vst v63  }
0x2b: {  	s30 =	rddreg [dreg:$0x7]  }
0x2c: {  	[tilespmem:s12], [sflag:$0x1] =	stream.indirect.gather [hbm4b:s3+s7], $0x80, s30, s7, $0xb8;
	[tilespmem:$0x1C800] =	vst v63  }
0x2d: {  	s29 =	rddreg [dreg:$0x8]  }
0x2e: {  	[tilespmem:s13], [sflag:$0x1] =	stream.indirect.gather [hbm4b:s3+s7], $0x80, s29, s7, $0xb8;
	[tilespmem:$0x1C800] =	vst v63  }
0x2f: {  	s30 =	rddreg [dreg:$0x9]  }
0x30: {  	[tilespmem:s14], [sflag:$0x1] =	stream.indirect.gather [hbm4b:s3+s7], $0x80, s30, s7, $0xb8;
	[tilespmem:$0x1C800] =	vst v63  }
0x31: {  	s29 =	rddreg [dreg:$0xa]  }
0x32: {  	[tilespmem:s15], [sflag:$0x1] =	stream.indirect.gather [hbm4b:s3+s7], $0x80, s29, s7, $0xb8;
	[tilespmem:$0x1C800] =	vst v63  }
0x33: {  	_ =	swait.ge [sflag:s16], $0x1900  }
0x34: {  	[sflag:s16] =	ssyncset.done $0x0  }
0x35: {  	[sflag:s16] =	ssyncadd.s32 $0xFFFFE700  }
0x36: {  	_ =	swait.ge [sflag:s16], $0x1900  }
0x37: {  	[sflag:s16] =	ssyncset.done $0x0  }
0x38: {  	[sflag:s16] =	ssyncadd.s32 $0xFFFFE700  }
0x39: {  	_ =	swait.ge [sflag:s16], $0x1900  }
0x3a: {  	[sflag:s16] =	ssyncset.done $0x0  }
0x3b: {  	[sflag:s16] =	ssyncadd.s32 $0xFFFFE700  }
0x3c: {  	_ =	swait.ge [sflag:s16], $0x1900  }
0x3d: {  	[sflag:s16] =	ssyncset.done $0x0  }
0x3e: {  	[sflag:s16] =	ssyncadd.s32 $0xFFFFE700  }
0x3f: {  	_ =	swait.ge [sflag:s16], $0x1900  }
0x40: {  	[sflag:s16] =	ssyncset.done $0x0  }
0x41: {  	[sflag:s16] =	ssyncadd.s32 $0xFFFFE700  }
0x42: {  	_ =	swait.ge [sflag:s16], $0x1900  }
0x43: {  	[sflag:s16] =	ssyncset.done $0x0  }
0x44: {  	[sflag:s16] =	ssyncadd.s32 $0xFFFFE700  }
0x45: {  	_ =	swait.ge [sflag:s16], $0x1900  }
0x46: {  	[sflag:s16] =	ssyncset.done $0x0  }
0x47: {  	[sflag:s16] =	ssyncadd.s32 $0xFFFFE700  }
0x48: {  	_ =	swait.ge [sflag:s16], $0x1900  }
0x49: {  	[sflag:s16] =	ssyncset.done $0x0  }
0x4a: {  	s29 =	sadd.s32 $0xFFFFE400, s5;
	[sflag:s16] =	ssyncadd.s32 $0xFFFFE700  }
0x4b: {  	[hbm4b:s29+s1] =	stream.linear.scatter [tilespmem:s8], [sflag:$0x2], $0x1900, $0x38;
	[tilespmem:$0x1C800] =	vst v63  }
0x4c: {  	s29 =	sadd.s32 $0xFFFFE780, s5  }
0x4d: {  	[hbm4b:s29+s1] =	stream.linear.scatter [tilespmem:s9], [sflag:$0x2], $0x1900, $0x38;
	[tilespmem:$0x1C800] =	vst v63  }
0x4e: {  	s29 =	sadd.s32 $0xFFFFEB00, s5  }
0x4f: {  	[hbm4b:s29+s1] =	stream.linear.scatter [tilespmem:s10], [sflag:$0x2], $0x1900, $0x38;
	[tilespmem:$0x1C800] =	vst v63  }
0x50: {  	s29 =	sadd.s32 $0xFFFFEE80, s5  }
0x51: {  	[hbm4b:s29+s1] =	stream.linear.scatter [tilespmem:s11], [sflag:$0x2], $0x1900, $0x38;
	[tilespmem:$0x1C800] =	vst v63  }
0x52: {  	s29 =	sadd.s32 $0xFFFFF200, s5  }
0x53: {  	[hbm4b:s29+s1] =	stream.linear.scatter [tilespmem:s12], [sflag:$0x2], $0x1900, $0x38;
	[tilespmem:$0x1C800] =	vst v63  }
0x54: {  	s29 =	sadd.s32 $0xFFFFF580, s5  }
0x55: {  	[hbm4b:s29+s1] =	stream.linear.scatter [tilespmem:s13], [sflag:$0x2], $0x1900, $0x38;
	[tilespmem:$0x1C800] =	vst v63  }
0x56: {  	s29 =	sadd.s32 $0xFFFFF900, s5  }
0x57: {  	[hbm4b:s29+s1] =	stream.linear.scatter [tilespmem:s14], [sflag:$0x2], $0x1900, $0x38;
	[tilespmem:$0x1C800] =	vst v63  }
0x58: {  	s29 =	sadd.s32 $0xFFFFFC80, s5  }
0x59: {  	[hbm4b:s29+s1] =	stream.linear.scatter [tilespmem:s15], [sflag:$0x2], $0x1900, $0x38;
	[tilespmem:$0x1C800] =	vst v63  }
0x5a: {  	_ =	swait.ge @!p0 [sflag:s0], $0xC800  }
0x5b: {  	[sflag:s0] =	ssyncset.done @!p0 $0x0  }
0x5c: {  	s26 =	sadd.s32 $0x80, s2;
	[sflag:s0] =	ssyncadd.s32 @!p0 $0xFFFF3800  }
0x5d: {  	[tilespmem:s17], [sflag:$0x3] =	stream.linear.gather [hbm4b:s26+s1], $0x400, $0x38;
	[tilespmem:$0x1C800] =	vst v63  }
0x5e: {  	_ =	swait.ge [sflag:s6], $0x400  }
0x5f: {  	[sflag:s6] =	ssyncset.done $0x0  }
0x60: {  	[sflag:s6] =	ssyncadd.s32 $0xFFFFFC00  }
0x61: {  	[tilespmem:s18], [sflag:$0x1] =	stream.indirect.gather [hbm4b:s3+s7], $0x80, s17, s7, $0xb8;
	[tilespmem:$0x1C800] =	vst v63  }
0x62: {  	s2 =	rddreg [dreg:$0xb]  }
0x63: {  	[tilespmem:s19], [sflag:$0x1] =	stream.indirect.gather [hbm4b:s3+s7], $0x80, s2, s7, $0xb8;
	[tilespmem:$0x1C800] =	vst v63  }
0x64: {  	s4 =	rddreg [dreg:$0xc]  }
0x65: {  	[tilespmem:s20], [sflag:$0x1] =	stream.indirect.gather [hbm4b:s3+s7], $0x80, s4, s7, $0xb8;
	[tilespmem:$0x1C800] =	vst v63  }
0x66: {  	s26 =	rddreg [dreg:$0xd]  }
0x67: {  	[tilespmem:s21], [sflag:$0x1] =	stream.indirect.gather [hbm4b:s3+s7], $0x80, s26, s7, $0xb8;
	[tilespmem:$0x1C800] =	vst v63  }
0x68: {  	s4 =	rddreg [dreg:$0xe]  }
0x69: {  	[tilespmem:s22], [sflag:$0x1] =	stream.indirect.gather [hbm4b:s3+s7], $0x80, s4, s7, $0xb8;
	[tilespmem:$0x1C800] =	vst v63  }
0x6a: {  	s26 =	rddreg [dreg:$0xf]  }
0x6b: {  	[tilespmem:s23], [sflag:$0x1] =	stream.indirect.gather [hbm4b:s3+s7], $0x80, s26, s7, $0xb8;
	[tilespmem:$0x1C800] =	vst v63  }
0x6c: {  	s4 =	rddreg [dreg:$0x10]  }
0x6d: {  	[tilespmem:s24], [sflag:$0x1] =	stream.indirect.gather [hbm4b:s3+s7], $0x80, s4, s7, $0xb8;
	[tilespmem:$0x1C800] =	vst v63  }
0x6e: {  	s26 =	rddreg [dreg:$0x11]  }
0x6f: {  	[tilespmem:s25], [sflag:$0x1] =	stream.indirect.gather [hbm4b:s3+s7], $0x80, s26, s7, $0xb8;
	[tilespmem:$0x1C800] =	vst v63  }
0x70: {  	_ =	swait.ge [sflag:s16], $0x1900  }
0x71: {  	[sflag:s16] =	ssyncset.done $0x0  }
0x72: {  	[sflag:s16] =	ssyncadd.s32 $0xFFFFE700  }
0x73: {  	_ =	swait.ge [sflag:s16], $0x1900  }
0x74: {  	[sflag:s16] =	ssyncset.done $0x0  }
0x75: {  	[sflag:s16] =	ssyncadd.s32 $0xFFFFE700  }
0x76: {  	_ =	swait.ge [sflag:s16], $0x1900  }
0x77: {  	[sflag:s16] =	ssyncset.done $0x0  }
0x78: {  	[sflag:s16] =	ssyncadd.s32 $0xFFFFE700  }
0x79: {  	_ =	swait.ge [sflag:s16], $0x1900  }
0x7a: {  	[sflag:s16] =	ssyncset.done $0x0  }
0x7b: {  	[sflag:s16] =	ssyncadd.s32 $0xFFFFE700  }
0x7c: {  	_ =	swait.ge [sflag:s16], $0x1900  }
0x7d: {  	[sflag:s16] =	ssyncset.done $0x0  }
0x7e: {  	[sflag:s16] =	ssyncadd.s32 $0xFFFFE700  }
0x7f: {  	_ =	swait.ge [sflag:s16], $0x1900  }
0x80: {  	[sflag:s16] =	ssyncset.done $0x0  }
0x81: {  	[sflag:s16] =	ssyncadd.s32 $0xFFFFE700  }
0x82: {  	_ =	swait.ge [sflag:s16], $0x1900  }
0x83: {  	[sflag:s16] =	ssyncset.done $0x0  }
0x84: {  	[sflag:s16] =	ssyncadd.s32 $0xFFFFE700  }
0x85: {  	_ =	swait.ge [sflag:s16], $0x1900  }
0x86: {  	[sflag:s16] =	ssyncset.done $0x0  }
0x87: {  	[sflag:s16] =	ssyncadd.s32 $0xFFFFE700  }
0x88: {  	[hbm4b:s5+s1] =	stream.linear.scatter [tilespmem:s18], [sflag:$0x2], $0x1900, $0x38;
	[tilespmem:$0x1C800] =	vst v63  }
0x89: {  	s2 =	sadd.s32 $0x380, s5  }
0x8a: {  	[hbm4b:s2+s1] =	stream.linear.scatter [tilespmem:s19], [sflag:$0x2], $0x1900, $0x38;
	[tilespmem:$0x1C800] =	vst v63  }
0x8b: {  	s4 =	sadd.s32 $0x700, s5  }
0x8c: {  	[hbm4b:s4+s1] =	stream.linear.scatter [tilespmem:s20], [sflag:$0x2], $0x1900, $0x38;
	[tilespmem:$0x1C800] =	vst v63  }
0x8d: {  	s26 =	sadd.s32 $0xA80, s5  }
0x8e: {  	[hbm4b:s26+s1] =	stream.linear.scatter [tilespmem:s21], [sflag:$0x2], $0x1900, $0x38;
	[tilespmem:$0x1C800] =	vst v63  }
0x8f: {  	p6 =	por $0x0, $0x0;
	s31 =	simm.s32 $0x200;
	s2 =	sadd.s32 $0xE00, s5  }
0x90: {  	[hbm4b:s2+s1] =	stream.linear.scatter [tilespmem:s22], [sflag:$0x2], $0x1900, $0x38;
	[tilespmem:$0x1C800] =	vst v63  }
0x91: {  	s30 =	simm.s32 $0x100;
	s29 =	sadd.s32 $0x3800, s5;
	s4 =	sadd.s32 $0x1180, s5  }
0x92: {  	[hbm4b:s4+s1] =	stream.linear.scatter [tilespmem:s23], [sflag:$0x2], $0x1900, $0x38;
	[tilespmem:$0x1C800] =	vst v63  }
0x93: {  	p0 =	por p6, p6;
	s0 =	sadd.s32 $0x1880, s5;
	s26 =	sadd.s32 $0x1500, s5  }
0x94: {  	[hbm4b:s26+s1] =	stream.linear.scatter [tilespmem:s24], [sflag:$0x2], $0x1900, $0x38;
	[tilespmem:$0x1C800] =	vst v63  }
.LBB2_2:
0x95: {  	[hbm4b:s0+s1] =	stream.linear.scatter [tilespmem:s25], [sflag:$0x2], $0x1900, $0x38;
	[tilespmem:$0x1C800] =	vst v63  }
0x96: {  	s0 =	simm.s32 @!p0 $0x2  }
0x97: {  	_ =	swait.ge @!p0 [sflag:s0], $0xC800  }
0x98: {  	[sflag:s0] =	ssyncset.done @!p0 $0x0;
	s2 =	rddreg [dreg:$0x3]  }
0x99: {  	[sflag:s0] =	ssyncadd.s32 @!p0 $0xFFFF3800;
	s2 =	sadd.s32 s30, s2  }
0x9a: {  	[tilespmem:s1], [sflag:$0x3] =	stream.linear.gather [hbm4b:s2+s1], $0x400, $0x38;
	[tilespmem:$0x1C800] =	vst v63  }
0x9b: {  	_ =	swait.ge [sflag:s6], $0x400  }
0x9c: {  	[sflag:s6] =	ssyncset.done $0x0  }
0x9d: {  	s4 =	smov.u32 s31;
	[sflag:s6] =	ssyncadd.s32 $0xFFFFFC00  }
0x9e: {  	[tilespmem:s8], [sflag:$0x1] =	stream.indirect.gather [hbm4b:s3+s7], $0x80, s1, s7, $0xb8;
	[tilespmem:$0x1C800] =	vst v63  }
0x9f: {  	p2 =	seq.s32 s4, $0x0;
	s30 =	smov.u32 s4;
	s4 =	rddreg [dreg:$0x4]  }
0xa0: {  	[tilespmem:s9], [sflag:$0x1] =	stream.indirect.gather [hbm4b:s3+s7], $0x80, s4, s7, $0xb8;
	[tilespmem:$0x1C800] =	vst v63  }
0xa1: {  	s26 =	rddreg [dreg:$0x5]  }
0xa2: {  	[tilespmem:s10], [sflag:$0x1] =	stream.indirect.gather [hbm4b:s3+s7], $0x80, s26, s7, $0xb8;
	[tilespmem:$0x1C800] =	vst v63  }
0xa3: {  	s4 =	rddreg [dreg:$0x6]  }
0xa4: {  	[tilespmem:s11], [sflag:$0x1] =	stream.indirect.gather [hbm4b:s3+s7], $0x80, s4, s7, $0xb8;
	[tilespmem:$0x1C800] =	vst v63  }
0xa5: {  	s26 =	rddreg [dreg:$0x7]  }
0xa6: {  	[tilespmem:s12], [sflag:$0x1] =	stream.indirect.gather [hbm4b:s3+s7], $0x80, s26, s7, $0xb8;
	[tilespmem:$0x1C800] =	vst v63  }
0xa7: {  	s4 =	rddreg [dreg:$0x8]  }
0xa8: {  	[tilespmem:s13], [sflag:$0x1] =	stream.indirect.gather [hbm4b:s3+s7], $0x80, s4, s7, $0xb8;
	[tilespmem:$0x1C800] =	vst v63  }
0xa9: {  	s26 =	rddreg [dreg:$0x9]  }
0xaa: {  	[tilespmem:s14], [sflag:$0x1] =	stream.indirect.gather [hbm4b:s3+s7], $0x80, s26, s7, $0xb8;
	[tilespmem:$0x1C800] =	vst v63  }
0xab: {  	s4 =	rddreg [dreg:$0xa]  }
0xac: {  	[tilespmem:s15], [sflag:$0x1] =	stream.indirect.gather [hbm4b:s3+s7], $0x80, s4, s7, $0xb8;
	[tilespmem:$0x1C800] =	vst v63  }
0xad: {  	_ =	swait.ge [sflag:s16], $0x1900  }
0xae: {  	[sflag:s16] =	ssyncset.done $0x0  }
0xaf: {  	[sflag:s16] =	ssyncadd.s32 $0xFFFFE700  }
0xb0: {  	_ =	swait.ge [sflag:s16], $0x1900  }
0xb1: {  	[sflag:s16] =	ssyncset.done $0x0  }
0xb2: {  	[sflag:s16] =	ssyncadd.s32 $0xFFFFE700  }
0xb3: {  	_ =	swait.ge [sflag:s16], $0x1900  }
0xb4: {  	[sflag:s16] =	ssyncset.done $0x0  }
0xb5: {  	[sflag:s16] =	ssyncadd.s32 $0xFFFFE700  }
0xb6: {  	_ =	swait.ge [sflag:s16], $0x1900  }
0xb7: {  	[sflag:s16] =	ssyncset.done $0x0  }
0xb8: {  	[sflag:s16] =	ssyncadd.s32 $0xFFFFE700  }
0xb9: {  	_ =	swait.ge [sflag:s16], $0x1900  }
0xba: {  	[sflag:s16] =	ssyncset.done $0x0  }
0xbb: {  	[sflag:s16] =	ssyncadd.s32 $0xFFFFE700  }
0xbc: {  	_ =	swait.ge [sflag:s16], $0x1900  }
0xbd: {  	[sflag:s16] =	ssyncset.done $0x0  }
0xbe: {  	[sflag:s16] =	ssyncadd.s32 $0xFFFFE700  }
0xbf: {  	_ =	swait.ge [sflag:s16], $0x1900  }
0xc0: {  	[sflag:s16] =	ssyncset.done $0x0  }
0xc1: {  	[sflag:s16] =	ssyncadd.s32 $0xFFFFE700  }
0xc2: {  	_ =	swait.ge [sflag:s16], $0x1900  }
0xc3: {  	[sflag:s16] =	ssyncset.done $0x0  }
0xc4: {  	s26 =	sadd.s32 $0xFFFFE400, s29;
	[sflag:s16] =	ssyncadd.s32 $0xFFFFE700  }
0xc5: {  	[hbm4b:s26+s1] =	stream.linear.scatter [tilespmem:s8], [sflag:$0x2], $0x1900, $0x38;
	[tilespmem:$0x1C800] =	vst v63  }
0xc6: {  	s26 =	sadd.s32 $0xFFFFE780, s29  }
0xc7: {  	[hbm4b:s26+s1] =	stream.linear.scatter [tilespmem:s9], [sflag:$0x2], $0x1900, $0x38;
	[tilespmem:$0x1C800] =	vst v63  }
0xc8: {  	s26 =	sadd.s32 $0xFFFFEB00, s29  }
0xc9: {  	[hbm4b:s26+s1] =	stream.linear.scatter [tilespmem:s10], [sflag:$0x2], $0x1900, $0x38;
	[tilespmem:$0x1C800] =	vst v63  }
0xca: {  	s26 =	sadd.s32 $0xFFFFEE80, s29  }
0xcb: {  	[hbm4b:s26+s1] =	stream.linear.scatter [tilespmem:s11], [sflag:$0x2], $0x1900, $0x38;
	[tilespmem:$0x1C800] =	vst v63  }
0xcc: {  	s26 =	sadd.s32 $0xFFFFF200, s29  }
0xcd: {  	[hbm4b:s26+s1] =	stream.linear.scatter [tilespmem:s12], [sflag:$0x2], $0x1900, $0x38;
	[tilespmem:$0x1C800] =	vst v63  }
0xce: {  	s26 =	sadd.s32 $0xFFFFF580, s29  }
0xcf: {  	[hbm4b:s26+s1] =	stream.linear.scatter [tilespmem:s13], [sflag:$0x2], $0x1900, $0x38;
	[tilespmem:$0x1C800] =	vst v63  }
0xd0: {  	s26 =	sadd.s32 $0xFFFFF900, s29  }
0xd1: {  	[hbm4b:s26+s1] =	stream.linear.scatter [tilespmem:s14], [sflag:$0x2], $0x1900, $0x38;
	[tilespmem:$0x1C800] =	vst v63  }
0xd2: {  	s26 =	sadd.s32 $0xFFFFFC80, s29  }
0xd3: {  	[hbm4b:s26+s1] =	stream.linear.scatter [tilespmem:s15], [sflag:$0x2], $0x1900, $0x38;
	[tilespmem:$0x1C800] =	vst v63  }
0xd4: {  	_ =	swait.ge @!p0 [sflag:s0], $0xC800  }
0xd5: {  	[sflag:s0] =	ssyncset.done @!p0 $0x0  }
0xd6: {  	s26 =	sadd.s32 $0x80, s2;
	[sflag:s0] =	ssyncadd.s32 @!p0 $0xFFFF3800  }
0xd7: {  	[tilespmem:s17], [sflag:$0x3] =	stream.linear.gather [hbm4b:s26+s1], $0x400, $0x38;
	[tilespmem:$0x1C800] =	vst v63  }
0xd8: {  	_ =	swait.ge [sflag:s6], $0x400  }
0xd9: {  	[sflag:s6] =	ssyncset.done $0x0  }
0xda: {  	[sflag:s6] =	ssyncadd.s32 $0xFFFFFC00  }
0xdb: {  	[tilespmem:s18], [sflag:$0x1] =	stream.indirect.gather [hbm4b:s3+s7], $0x80, s17, s7, $0xb8;
	[tilespmem:$0x1C800] =	vst v63  }
0xdc: {  	s2 =	rddreg [dreg:$0xb]  }
0xdd: {  	[tilespmem:s19], [sflag:$0x1] =	stream.indirect.gather [hbm4b:s3+s7], $0x80, s2, s7, $0xb8;
	[tilespmem:$0x1C800] =	vst v63  }
0xde: {  	s4 =	rddreg [dreg:$0xc]  }
0xdf: {  	[tilespmem:s20], [sflag:$0x1] =	stream.indirect.gather [hbm4b:s3+s7], $0x80, s4, s7, $0xb8;
	[tilespmem:$0x1C800] =	vst v63  }
0xe0: {  	s26 =	rddreg [dreg:$0xd]  }
0xe1: {  	[tilespmem:s21], [sflag:$0x1] =	stream.indirect.gather [hbm4b:s3+s7], $0x80, s26, s7, $0xb8;
	[tilespmem:$0x1C800] =	vst v63  }
0xe2: {  	s4 =	rddreg [dreg:$0xe]  }
0xe3: {  	[tilespmem:s22], [sflag:$0x1] =	stream.indirect.gather [hbm4b:s3+s7], $0x80, s4, s7, $0xb8;
	[tilespmem:$0x1C800] =	vst v63  }
0xe4: {  	s26 =	rddreg [dreg:$0xf]  }
0xe5: {  	[tilespmem:s23], [sflag:$0x1] =	stream.indirect.gather [hbm4b:s3+s7], $0x80, s26, s7, $0xb8;
	[tilespmem:$0x1C800] =	vst v63  }
0xe6: {  	s4 =	rddreg [dreg:$0x10]  }
0xe7: {  	[tilespmem:s24], [sflag:$0x1] =	stream.indirect.gather [hbm4b:s3+s7], $0x80, s4, s7, $0xb8;
	[tilespmem:$0x1C800] =	vst v63  }
0xe8: {  	s26 =	rddreg [dreg:$0x11]  }
0xe9: {  	[tilespmem:s25], [sflag:$0x1] =	stream.indirect.gather [hbm4b:s3+s7], $0x80, s26, s7, $0xb8;
	[tilespmem:$0x1C800] =	vst v63  }
0xea: {  	_ =	swait.ge [sflag:s16], $0x1900  }
0xeb: {  	[sflag:s16] =	ssyncset.done $0x0  }
0xec: {  	[sflag:s16] =	ssyncadd.s32 $0xFFFFE700  }
0xed: {  	_ =	swait.ge [sflag:s16], $0x1900  }
0xee: {  	[sflag:s16] =	ssyncset.done $0x0  }
0xef: {  	[sflag:s16] =	ssyncadd.s32 $0xFFFFE700  }
0xf0: {  	_ =	swait.ge [sflag:s16], $0x1900  }
0xf1: {  	[sflag:s16] =	ssyncset.done $0x0  }
0xf2: {  	[sflag:s16] =	ssyncadd.s32 $0xFFFFE700  }
0xf3: {  	_ =	swait.ge [sflag:s16], $0x1900  }
0xf4: {  	[sflag:s16] =	ssyncset.done $0x0  }
0xf5: {  	[sflag:s16] =	ssyncadd.s32 $0xFFFFE700  }
0xf6: {  	_ =	swait.ge [sflag:s16], $0x1900  }
0xf7: {  	[sflag:s16] =	ssyncset.done $0x0  }
0xf8: {  	[sflag:s16] =	ssyncadd.s32 $0xFFFFE700  }
0xf9: {  	_ =	swait.ge [sflag:s16], $0x1900  }
0xfa: {  	[sflag:s16] =	ssyncset.done $0x0  }
0xfb: {  	[sflag:s16] =	ssyncadd.s32 $0xFFFFE700  }
0xfc: {  	_ =	swait.ge [sflag:s16], $0x1900  }
0xfd: {  	[sflag:s16] =	ssyncset.done $0x0  }
0xfe: {  	[sflag:s16] =	ssyncadd.s32 $0xFFFFE700  }
0xff: {  	_ =	swait.ge [sflag:s16], $0x1900  }
0x100: {  	[sflag:s16] =	ssyncset.done $0x0  }
0x101: {  	[sflag:s16] =	ssyncadd.s32 $0xFFFFE700  }
0x102: {  	[hbm4b:s29+s1] =	stream.linear.scatter [tilespmem:s18], [sflag:$0x2], $0x1900, $0x38;
	[tilespmem:$0x1C800] =	vst v63  }
0x103: {  	s2 =	sadd.s32 $0x380, s29  }
0x104: {  	[hbm4b:s2+s1] =	stream.linear.scatter [tilespmem:s19], [sflag:$0x2], $0x1900, $0x38;
	[tilespmem:$0x1C800] =	vst v63  }
0x105: {  	s4 =	sadd.s32 $0x700, s29  }
0x106: {  	[hbm4b:s4+s1] =	stream.linear.scatter [tilespmem:s20], [sflag:$0x2], $0x1900, $0x38;
	[tilespmem:$0x1C800] =	vst v63  }
0x107: {  	s31 =	sadd.s32 $0x100, s31;
	s26 =	sadd.s32 $0xA80, s29  }
0x108: {  	[hbm4b:s26+s1] =	stream.linear.scatter [tilespmem:s21], [sflag:$0x2], $0x1900, $0x38;
	[tilespmem:$0x1C800] =	vst v63  }
0x109: {  	p1 =	sne.s32 s31, $0x2000;
	s2 =	sadd.s32 $0xE00, s29  }
0x10a: {  	[hbm4b:s2+s1] =	stream.linear.scatter [tilespmem:s22], [sflag:$0x2], $0x1900, $0x38;
	[tilespmem:$0x1C800] =	vst v63  }
.Ltmp0:
0x10b: {  	_ = 	snop;
	(pc) =	sbr.rel @p1 .LBB2_2-.Ltmp0, $4  }
0x10c: {  	p0 =	por p2, p2;
	s4 =	sadd.s32 $0x1180, s29  }
0x10d: {  	[hbm4b:s4+s1] =	stream.linear.scatter [tilespmem:s23], [sflag:$0x2], $0x1900, $0x38;
	[tilespmem:$0x1C800] =	vst v63  }
0x10e: {  	s0 =	sadd.s32 $0x1880, s29;
	s26 =	sadd.s32 $0x1500, s29;
	s29 =	sadd.s32 $0x3800, s29  }
0x10f: {  	[hbm4b:s26+s1] =	stream.linear.scatter [tilespmem:s24], [sflag:$0x2], $0x1900, $0x38;
	[tilespmem:$0x1C800] =	vst v63  }
0x110: {  	[hbm4b:s0+s1] =	stream.linear.scatter [tilespmem:s25], [sflag:$0x2], $0x1900, $0x38;
	[tilespmem:$0x1C800] =	vst v63  }
0x111: {  	s0 =	simm.s32 @!p0 $0x2  }
0x112: {  	_ =	swait.ge @!p0 [sflag:s0], $0xC800  }
0x113: {  	s2 =	rddreg [dreg:$0x3];
	[sflag:s0] =	ssyncset.done @!p0 $0x0  }
0x114: {  	[sflag:s0] =	ssyncadd.s32 @!p0 $0xFFFF3800;
	s2 =	sadd.s32 s30, s2  }
0x115: {  	[tilespmem:s1], [sflag:$0x3] =	stream.linear.gather [hbm4b:s2+s1], $0x400, $0x38;
	[tilespmem:$0x1C800] =	vst v63  }
0x116: {  	_ =	swait.ge [sflag:s6], $0x400  }
0x117: {  	[sflag:s6] =	ssyncset.done $0x0  }
0x118: {  	[sflag:s6] =	ssyncadd.s32 $0xFFFFFC00  }
0x119: {  	[tilespmem:s8], [sflag:$0x1] =	stream.indirect.gather [hbm4b:s3+s7], $0x80, s1, s7, $0xb8;
	[tilespmem:$0x1C800] =	vst v63  }
0x11a: {  	s4 =	rddreg [dreg:$0x4]  }
0x11b: {  	[tilespmem:s9], [sflag:$0x1] =	stream.indirect.gather [hbm4b:s3+s7], $0x80, s4, s7, $0xb8;
	[tilespmem:$0x1C800] =	vst v63  }
0x11c: {  	s26 =	rddreg [dreg:$0x5]  }
0x11d: {  	[tilespmem:s10], [sflag:$0x1] =	stream.indirect.gather [hbm4b:s3+s7], $0x80, s26, s7, $0xb8;
	[tilespmem:$0x1C800] =	vst v63  }
0x11e: {  	s31 =	rddreg [dreg:$0x6]  }
0x11f: {  	[tilespmem:s11], [sflag:$0x1] =	stream.indirect.gather [hbm4b:s3+s7], $0x80, s31, s7, $0xb8;
	[tilespmem:$0x1C800] =	vst v63  }
0x120: {  	s30 =	rddreg [dreg:$0x7]  }
0x121: {  	[tilespmem:s12], [sflag:$0x1] =	stream.indirect.gather [hbm4b:s3+s7], $0x80, s30, s7, $0xb8;
	[tilespmem:$0x1C800] =	vst v63  }
0x122: {  	s31 =	rddreg [dreg:$0x8]  }
0x123: {  	[tilespmem:s13], [sflag:$0x1] =	stream.indirect.gather [hbm4b:s3+s7], $0x80, s31, s7, $0xb8;
	[tilespmem:$0x1C800] =	vst v63  }
0x124: {  	s30 =	rddreg [dreg:$0x9]  }
0x125: {  	[tilespmem:s14], [sflag:$0x1] =	stream.indirect.gather [hbm4b:s3+s7], $0x80, s30, s7, $0xb8;
	[tilespmem:$0x1C800] =	vst v63  }
0x126: {  	s31 =	rddreg [dreg:$0xa]  }
0x127: {  	[tilespmem:s15], [sflag:$0x1] =	stream.indirect.gather [hbm4b:s3+s7], $0x80, s31, s7, $0xb8;
	[tilespmem:$0x1C800] =	vst v63  }
0x128: {  	_ =	swait.ge [sflag:s16], $0x1900  }
0x129: {  	[sflag:s16] =	ssyncset.done $0x0  }
0x12a: {  	[sflag:s16] =	ssyncadd.s32 $0xFFFFE700  }
0x12b: {  	_ =	swait.ge [sflag:s16], $0x1900  }
0x12c: {  	[sflag:s16] =	ssyncset.done $0x0  }
0x12d: {  	[sflag:s16] =	ssyncadd.s32 $0xFFFFE700  }
0x12e: {  	_ =	swait.ge [sflag:s16], $0x1900  }
0x12f: {  	[sflag:s16] =	ssyncset.done $0x0  }
0x130: {  	[sflag:s16] =	ssyncadd.s32 $0xFFFFE700  }
0x131: {  	_ =	swait.ge [sflag:s16], $0x1900  }
0x132: {  	[sflag:s16] =	ssyncset.done $0x0  }
0x133: {  	[sflag:s16] =	ssyncadd.s32 $0xFFFFE700  }
0x134: {  	_ =	swait.ge [sflag:s16], $0x1900  }
0x135: {  	[sflag:s16] =	ssyncset.done $0x0  }
0x136: {  	[sflag:s16] =	ssyncadd.s32 $0xFFFFE700  }
0x137: {  	_ =	swait.ge [sflag:s16], $0x1900  }
0x138: {  	[sflag:s16] =	ssyncset.done $0x0  }
0x139: {  	[sflag:s16] =	ssyncadd.s32 $0xFFFFE700  }
0x13a: {  	_ =	swait.ge [sflag:s16], $0x1900  }
0x13b: {  	[sflag:s16] =	ssyncset.done $0x0  }
0x13c: {  	[sflag:s16] =	ssyncadd.s32 $0xFFFFE700  }
0x13d: {  	_ =	swait.ge [sflag:s16], $0x1900  }
0x13e: {  	[sflag:s16] =	ssyncset.done $0x0  }
0x13f: {  	s30 =	sadd.s32 $0xFFFFE400, s29;
	[sflag:s16] =	ssyncadd.s32 $0xFFFFE700  }
0x140: {  	[hbm4b:s30+s1] =	stream.linear.scatter [tilespmem:s8], [sflag:$0x2], $0x1900, $0x38;
	[tilespmem:$0x1C800] =	vst v63  }
0x141: {  	s31 =	sadd.s32 $0xFFFFE780, s29  }
0x142: {  	[hbm4b:s31+s1] =	stream.linear.scatter [tilespmem:s9], [sflag:$0x2], $0x1900, $0x38;
	[tilespmem:$0x1C800] =	vst v63  }
0x143: {  	s26 =	sadd.s32 $0xFFFFEB00, s29  }
0x144: {  	[hbm4b:s26+s1] =	stream.linear.scatter [tilespmem:s10], [sflag:$0x2], $0x1900, $0x38;
	[tilespmem:$0x1C800] =	vst v63  }
0x145: {  	s30 =	sadd.s32 $0xFFFFEE80, s29  }
0x146: {  	[hbm4b:s30+s1] =	stream.linear.scatter [tilespmem:s11], [sflag:$0x2], $0x1900, $0x38;
	[tilespmem:$0x1C800] =	vst v63  }
0x147: {  	s31 =	sadd.s32 $0xFFFFF200, s29  }
0x148: {  	[hbm4b:s31+s1] =	stream.linear.scatter [tilespmem:s12], [sflag:$0x2], $0x1900, $0x38;
	[tilespmem:$0x1C800] =	vst v63  }
0x149: {  	s26 =	sadd.s32 $0xFFFFF580, s29  }
0x14a: {  	[hbm4b:s26+s1] =	stream.linear.scatter [tilespmem:s13], [sflag:$0x2], $0x1900, $0x38;
	[tilespmem:$0x1C800] =	vst v63  }
0x14b: {  	s30 =	sadd.s32 $0xFFFFF900, s29  }
0x14c: {  	[hbm4b:s30+s1] =	stream.linear.scatter [tilespmem:s14], [sflag:$0x2], $0x1900, $0x38;
	[tilespmem:$0x1C800] =	vst v63  }
0x14d: {  	s31 =	sadd.s32 $0xFFFFFC80, s29  }
0x14e: {  	[hbm4b:s31+s1] =	stream.linear.scatter [tilespmem:s15], [sflag:$0x2], $0x1900, $0x38;
	[tilespmem:$0x1C800] =	vst v63  }
0x14f: {  	_ =	swait.ge @!p0 [sflag:s0], $0xC800  }
0x150: {  	[sflag:s0] =	ssyncset.done @!p0 $0x0  }
0x151: {  	s26 =	sadd.s32 $0x80, s2;
	[sflag:s0] =	ssyncadd.s32 @!p0 $0xFFFF3800  }
0x152: {  	[tilespmem:s17], [sflag:$0x3] =	stream.linear.gather [hbm4b:s26+s1], $0x400, $0x38;
	[tilespmem:$0x1C800] =	vst v63  }
0x153: {  	_ =	swait.ge [sflag:s6], $0x400  }
0x154: {  	[sflag:s6] =	ssyncset.done $0x0  }
0x155: {  	[sflag:s6] =	ssyncadd.s32 $0xFFFFFC00  }
0x156: {  	[tilespmem:s18], [sflag:$0x1] =	stream.indirect.gather [hbm4b:s3+s7], $0x80, s17, s7, $0xb8;
	[tilespmem:$0x1C800] =	vst v63  }
0x157: {  	s30 =	rddreg [dreg:$0xb]  }
0x158: {  	[tilespmem:s19], [sflag:$0x1] =	stream.indirect.gather [hbm4b:s3+s7], $0x80, s30, s7, $0xb8;
	[tilespmem:$0x1C800] =	vst v63  }
0x159: {  	s31 =	rddreg [dreg:$0xc]  }
0x15a: {  	[tilespmem:s20], [sflag:$0x1] =	stream.indirect.gather [hbm4b:s3+s7], $0x80, s31, s7, $0xb8;
	[tilespmem:$0x1C800] =	vst v63  }
0x15b: {  	s4 =	rddreg [dreg:$0xd]  }
0x15c: {  	[tilespmem:s21], [sflag:$0x1] =	stream.indirect.gather [hbm4b:s3+s7], $0x80, s4, s7, $0xb8;
	[tilespmem:$0x1C800] =	vst v63  }
0x15d: {  	s26 =	rddreg [dreg:$0xe]  }
0x15e: {  	[tilespmem:s22], [sflag:$0x1] =	stream.indirect.gather [hbm4b:s3+s7], $0x80, s26, s7, $0xb8;
	[tilespmem:$0x1C800] =	vst v63  }
0x15f: {  	s30 =	rddreg [dreg:$0xf]  }
0x160: {  	[tilespmem:s23], [sflag:$0x1] =	stream.indirect.gather [hbm4b:s3+s7], $0x80, s30, s7, $0xb8;
	[tilespmem:$0x1C800] =	vst v63  }
0x161: {  	s31 =	rddreg [dreg:$0x10]  }
0x162: {  	[tilespmem:s24], [sflag:$0x1] =	stream.indirect.gather [hbm4b:s3+s7], $0x80, s31, s7, $0xb8;
	[tilespmem:$0x1C800] =	vst v63  }
0x163: {  	s4 =	rddreg [dreg:$0x11]  }
0x164: {  	[tilespmem:s25], [sflag:$0x1] =	stream.indirect.gather [hbm4b:s3+s7], $0x80, s4, s7, $0xb8;
	[tilespmem:$0x1C800] =	vst v63  }
0x165: {  	_ =	swait.ge [sflag:s16], $0x1900  }
0x166: {  	[sflag:s16] =	ssyncset.done $0x0  }
0x167: {  	[sflag:s16] =	ssyncadd.s32 $0xFFFFE700  }
0x168: {  	_ =	swait.ge [sflag:s16], $0x1900  }
0x169: {  	[sflag:s16] =	ssyncset.done $0x0  }
0x16a: {  	[sflag:s16] =	ssyncadd.s32 $0xFFFFE700  }
0x16b: {  	_ =	swait.ge [sflag:s16], $0x1900  }
0x16c: {  	[sflag:s16] =	ssyncset.done $0x0  }
0x16d: {  	[sflag:s16] =	ssyncadd.s32 $0xFFFFE700  }
0x16e: {  	_ =	swait.ge [sflag:s16], $0x1900  }
0x16f: {  	[sflag:s16] =	ssyncset.done $0x0  }
0x170: {  	[sflag:s16] =	ssyncadd.s32 $0xFFFFE700  }
0x171: {  	_ =	swait.ge [sflag:s16], $0x1900  }
0x172: {  	[sflag:s16] =	ssyncset.done $0x0  }
0x173: {  	[sflag:s16] =	ssyncadd.s32 $0xFFFFE700  }
0x174: {  	_ =	swait.ge [sflag:s16], $0x1900  }
0x175: {  	[sflag:s16] =	ssyncset.done $0x0  }
0x176: {  	[sflag:s16] =	ssyncadd.s32 $0xFFFFE700  }
0x177: {  	_ =	swait.ge [sflag:s16], $0x1900  }
0x178: {  	[sflag:s16] =	ssyncset.done $0x0  }
0x179: {  	[sflag:s16] =	ssyncadd.s32 $0xFFFFE700  }
0x17a: {  	_ =	swait.ge [sflag:s16], $0x1900  }
0x17b: {  	[sflag:s16] =	ssyncset.done $0x0  }
0x17c: {  	[sflag:s16] =	ssyncadd.s32 $0xFFFFE700  }
0x17d: {  	[hbm4b:s29+s1] =	stream.linear.scatter [tilespmem:s18], [sflag:$0x2], $0x1900, $0x38;
	[tilespmem:$0x1C800] =	vst v63  }
0x17e: {  	s26 =	sadd.s32 $0x380, s29  }
0x17f: {  	[hbm4b:s26+s1] =	stream.linear.scatter [tilespmem:s19], [sflag:$0x2], $0x1900, $0x38;
	[tilespmem:$0x1C800] =	vst v63  }
0x180: {  	s30 =	sadd.s32 $0x700, s29  }
0x181: {  	[hbm4b:s30+s1] =	stream.linear.scatter [tilespmem:s20], [sflag:$0x2], $0x1900, $0x38;
	[tilespmem:$0x1C800] =	vst v63  }
0x182: {  	s31 =	sadd.s32 $0xA80, s29  }
0x183: {  	[hbm4b:s31+s1] =	stream.linear.scatter [tilespmem:s21], [sflag:$0x2], $0x1900, $0x38;
	[tilespmem:$0x1C800] =	vst v63  }
0x184: {  	s2 =	sadd.s32 $0xE00, s29  }
0x185: {  	[hbm4b:s2+s1] =	stream.linear.scatter [tilespmem:s22], [sflag:$0x2], $0x1900, $0x38;
	[tilespmem:$0x1C800] =	vst v63  }
0x186: {  	s4 =	sadd.s32 $0x1180, s29  }
0x187: {  	[hbm4b:s4+s1] =	stream.linear.scatter [tilespmem:s23], [sflag:$0x2], $0x1900, $0x38;
	[tilespmem:$0x1C800] =	vst v63  }
0x188: {  	s26 =	sadd.s32 $0x1500, s29  }
0x189: {  	[hbm4b:s26+s1] =	stream.linear.scatter [tilespmem:s24], [sflag:$0x2], $0x1900, $0x38;
	[tilespmem:$0x1C800] =	vst v63  }
0x18a: {  	s29 =	sadd.s32 $0x1880, s29;
	s30 =	simm.s32 $0x2  }
0x18b: {  	[hbm4b:s29+s1] =	stream.linear.scatter [tilespmem:s25], [sflag:$0x2], $0x1900, $0x38;
	[tilespmem:$0x1C800] =	vst v63  }
0x18c: {  	_ =	swait.ge [sflag:s30], $0xC800  }
0x18d: {  	[sflag:s30] =	ssyncset.done $0x0  }
0x18e: {  	[sflag:s30] =	ssyncadd.s32 $0xFFFF3800  }
0x18f: {  	_ =	swait.ge [sflag:s30], $0xC800  }
0x190: {  	s28 =	sadd.s32 $0x1, s28;
	s31 =	rddreg [dreg:$0x12]  }
0x191: {  	p0 =	sne.s32 s28, s31  }
.Ltmp1:
0x192: {  	_ = 	snop;
	(pc) =	sbr.rel @p0 .LBB2_1-.Ltmp1, $3  }
0x193: {  	_ =	sdelay $0x1  }
0x194: {  	[sflag:s30] =	ssyncset.done $0x0  }
0x195: {  	[sflag:s30] =	ssyncadd.s32 $0xFFFF3800  }
0x196: {  	_ =	sfence.sel $0x180000  }
0x197: {  	[bflag:$0x0] =	sbarrier.arrive $0xFFFF  }
0x198: {  	_ =	strace $0x90000047  }
0x199: {  	s0 =	stileid.u32;
	[bflag:$0x2] =	sbarrier.arrive $0xFFFF  }
0x19a: {  	p0 =	sne.s32 s0, $0x0;
	s0 =	rddreg [dreg:$0x2]  }
0x19b: {  	s0 =	sadd.s32 @!p0 $0x100000, s0  }
0x19c: {  	[sflag:s0] =	ssyncadd.tile.s32 @!p0 $0x1;
	_ =	shalt  }
.Lfunc_end2:
_tile_overlayer_lowered:
.L_overlay_start_2:
0x19d: {  	(tag) =	ssettag $0x2  }
0x19e: {  	s0 =	rddreg [dreg:$0x0];
	s2 =	stileid.u32  }
0x19f: {  	s1 =	rddreg [dreg:$0x1];
	p0 =	sne.s32 s2, $0x0  }
0x1a0: {  	s3 =	rddreg [dreg:$0x2];
	[bflag:$0x3] =	sbarrier.arrive $0xFFFF;
	s2 =	simm.s32 @!p0 $0x1C03  }
0x1a1: {  	[timem:s3], [sflag:s2] =	dma.local @!p0 [hbm:s0], s1  }
0x1a2: {  	s0 =	simm.s32 @!p0 $0x3  }
0x1a3: {  	_ =	swait.ge @!p0 [sflag:s0], s1  }
0x1a4: {  	s1 =	ssub.s32 @!p0 $0x0, s1;
	[sflag:s0] =	ssyncset.done @!p0 $0x0  }
0x1a5: {  	[sflag:s0] =	ssyncadd.s32 @!p0 s1  }
0x1a6: {  	[bflag:$0x3] =	sbarrier.arrive $0xFFFF  }
0x1a7: {  	_ =	shalt  }

// kernel: sparse-core-data-format-call.cloned.1.call-start
scs
called_computation_lowered:
.L_overlay_start_0:
0x0: {  	s2 =	sld [smem:$0x3FD9]  }
0x1: {  	s3 =	sld [smem:$0x3FFE];
	_ =	sdelay $0x1  }
0x2: {  	s1 =	srdreg.scid  }
0x3: {  	s0 =	sand.u32 $0x1, s1  }
0x4: {  	s18 =	sshll.u32 s0, $0xA;
	s2 =	sadd.s32 s3, s2  }
0x5: {  	s2 =	sadd.s32 s2, s18  }
0x6: {  	[smem:$0x3FC6] =	sst s2  }
0x7: {  	_ = 	snop  }
0x8: {  	s2 =	sld [smem:$0x3FD0];
	(tm) =	ssettm $0x1  }
0x9: {  	s19 =	sld [smem:$0x3FFB];
	_ =	sdelay $0x3  }
0xa: {  	_ =	strace s19  }
0xb: {  	s3 =	sld [smem:$0x3FFC];
	_ =	sdelay $0x3  }
0xc: {  	_ =	strace s3  }
0xd: {  	s3 =	sld [smem:$0x3FFD];
	_ =	sdelay $0x3  }
0xe: {  	_ =	strace s3  }
0xf: {  	_ =	strace $0x8FFFFFFF  }
0x10: {  	s20 =	sld [smem:$0x3FDB];
	_ =	sdelay $0x1  }
0x11: {  	s4 =	simm.s32 $_scs_section_size  }
0x12: {  	s5 =	simm.s32 $_size__tile_overlayer_lowered;
	s6 =	simm.s32 $_tile_overlayer_lowered  }
0x13: {  	s23 =	simm.s32 $0x1BFF;
	s22 =	sshll.u32 s6, $0x1;
	s3 =	sadd.s32 s4, s20  }
0x14: {  	s7 =	simm.s32 $0x0;
	s21 =	sshll.u32 s5, $0x1;
	s5 =	sadd.s32 s22, s3  }
0x15: {  	[timem:s7], [sflag:s23] =	dma.local [hbm:s5], s21  }
0x16: {  	_ =	swait.ge [sflag:s23], s21  }
0x17: {  	s4 =	ssub.s32 $0x0, s21;
	[sflag:s23] =	ssyncset.done $0x0  }
0x18: {  	[sflag:s23] =	ssyncadd.s32 s4;
	_ =	sdelay $0x1  }
0x19: {  	s24 =	simm.s32 $0x1B8B  }
0x1a: {  	_ =	swait.ge [sflag:s24], $0x1  }
0x1b: {  	[sflag:s24] =	ssyncset.done $0x0  }
0x1c: {  	s26 =	simm.s32 $0x1B8E;
	s25 =	sld [smem:$0x3FFE];
	[sflag:s24] =	ssyncadd.s32 $0xFFFFFFFF  }
0x1d: {  	s27 =	simm.s32 $execute0_lowered;
	[smem:$0x3FD2] =	sst s26  }
0x1e: {  	s5 =	sshll.u32 s27, $0x1;
	_ =	strace $0x80000049;
	[dreg:$0x1] =	wrdreg $0xFFFFFFFF  }
0x1f: {  	s28 =	simm.s32 $_size_execute0_lowered;
	s3 =	sadd.s32 s3, s5;
	[dreg:$0x0] =	wrdreg $0x0  }
0x20: {  	s5 =	sshll.u32 s28, $0x1;
	[dreg:$0x2] =	wrdreg s3  }
0x21: {  	[dreg:$0x3] =	wrdreg s5  }
0x22: {  	[dreg:$0x4] =	wrdreg $0xC0  }
0x23: {  	_ =	task [dreg:s7], $0x5FFFF  }
0x24: {  	[dreg:$0x1] =	wrdreg $0xFFFFFFFF  }
0x25: {  	[dreg:$0x0] =	wrdreg $0x60  }
0x26: {  	[dreg:$0x2] =	wrdreg s25  }
0x27: {  	[dreg:$0x3] =	wrdreg s2  }
0x28: {  	[dreg:$0x4] =	wrdreg $0x9  }
0x29: {  	_ =	task.clear_ibuf [dreg:s7], $0x5FFFF;
	_ =	strace $0x90000049  }
0x2a: {  	s29 =	simm.s32 $0x9;
	_ =	strace $0x8000004B  }
0x2b: {  	_ =	swait.ge [sflag:s29], $0x1  }
0x2c: {  	[sflag:s29] =	ssyncadd.s32 $0xFFFFFFFF  }
0x2d: {  	_ =	strace $0x9000004B  }
0x2e: {  	_ =	sfence  }
0x2f: {  	s30 =	sld [smem:$0x0];
	_ =	sdelay $0x2  }
0x30: {  	s31 =	sshll.u32 s1, $0xD;
	s1 =	sshrl.u32 s1, $0x2  }
0x31: {  	s3 =	sand.u32 $0x4000, s31;
	s1 =	sadd.s32 s1, s30  }
0x32: {  	s0 =	sor.u32 s3, s0;
	s1 =	sshll.u32 s1, $0x11  }
0x33: {  	s0 =	sor.u32 s1, s0  }
0x34: {  	s0 =	sadd.s32 $0x8F2B, s0  }
0x35: {  	[sflag:s0] =	ssyncadd.remote.s32 $0x1  }
0x36: {  	_ =	sfence.sel $0xFFFF  }
0x37: {  	[dreg:$0x0] =	wrdreg $0xFFFFFFFF;
	(pc) =	sbr.abs _section_cstart, $3  }
0x38: {  	[dreg:$0x1] =	wrdreg $0xFFFFFFFF  }
0x39: {  	_ =	task.clear_ibuf [dreg:s7], $0x2FFFF;
	_ =	strace $0x9FFFFFFF  }
0x3a: {  	(tm) =	ssettm $0x7FFFFFFF  }
0x3b: {  	_ =	shalt  }
tec
execute0_lowered:
.L_overlay_start_1:
0x0: {  	(tag) =	ssettag $0x1  }
0x1: {  	s0 =	srdreg.scid  }
0x2: {  	s1 =	sshll.u32 s0, $0x4  }
0x3: {  	s0 =	stileid.u32;
	s1 =	sand.u32 $0x10, s1  }
0x4: {  	s1 =	sor.u32 s0, s1  }
0x5: {  	s6 =	rddreg [dreg:$0x0];
	s4 =	simm.s32 $0x1;
	s2 =	sshll.u32 s1, $0x7  }
0x6: {  	s7 =	simm.s32 $0x2;
	s12 =	simm.s32 $0x0;
	s1 =	ssub.s32 $0x4000, s2  }
0x7: {  	s8 =	simm.s32 $0x20000;
	s13 =	simm.s32 $0x0;
	s3 =	sand.u32 $0xF80, s1  }
0x8: {  	s9 =	simm.s32 $0x0;
	s5 =	sshrl.u32 s1, $0xC;
	p0 =	sne.s32 s3, $0x0  }
.Ltmp0:
0x9: {  	s1 =	rddreg [dreg:$0x2];
	s4 =	simm.s32 @!p0 $0x0;
	(pc) =	sbr.rel .LBB1_1-.Ltmp0, $4  }
0xa: {  	s11 =	simm.s32 $0x0;
	s3 =	rddreg [dreg:$0x1];
	s5 =	sadd.s32 s4, s5  }
0xb: {  	_ =	strace $0x8000004A;
	s4 =	simm.s32 $0x1;
	s5 =	smul.u32 $0x32, s5  }
0xc: {  	s6 =	sadd.s32 $0xA00, s6;
	s10 =	smov.u32 s2;
	[sflag:s4] =	ssyncpa.u1 $0x0  }
0xd: {  	p0 =	por $0x0, $0x0;
	[sflag:s7] =	ssyncpa.u1 $0x0;
	s7 =	sor.u32 $0x1, s5  }
.LBB1_4:
0xe: {  	s16 =	sshll.u32 s13, $0x3;
	s17 =	sand.u32 $0x78, s13  }
0xf: {  	s30 =	sand.u32 $0xF800, s13;
	s12 =	sshll.u32 s12, $0x10;
	s16 =	sand.u32 $0x3C00, s16  }
0x10: {  	s31 =	sand.u32 $0x7, s13;
	s16 =	sor.u32 s17, s16;
	s17 =	sadd.s32 s3, s30  }
0x11: {  	s13 =	sshll.u32 s31, $0x12;
	s16 =	sshrl.u32 s16, $0x3;
	s12 =	sadd.s32 s12, s17  }
0x12: {  	[tilespmem:s15+$0x0 ss:$0x81] =	vst.msk $0xffff, v0;
	s13 =	sor.u32 $0x400, s13;
	s12 =	sadd.s32 s16, s12  }
0x13: {  	[hbm4b:s12+s13] =	stream.strided.scatter [tilespmem:s14], [sflag:$0x2], $0x1000, s8, s13, $0x20;
	[tilespmem:$0x4040] =	vst v63  }
.LBB1_5:
0x14: {  	s14 =	sadd.s32 $0x1, s9  }
0x15: {  	s12 =	sadd.s32 $0x1000, s10;
	s16 =	smov.u32 s10;
	p2 =	sgt.s32 s14, $0x31  }
0x16: {  	s16 =	smov.u32 @p2 s12  }
0x17: {  	s14 =	simm.s32 @p2 $0x0;
	p2 =	sgt.s32 s16, $0x3FFF  }
0x18: {  	s16 =	smov.u32 @p2 s2;
	p2 =	sne.s32 s11, s7  }
.Ltmp1:
0x19: {  	p1 =	slt.u32 s11, $0x2;
	(pc) =	sbr.rel @!p2 .LBB1_6-.Ltmp1, $4  }
0x1a: {  	s15 =	simm.s32 @!p1 $0x2  }
0x1b: {  	s13 =	smov.u32 s10;
	p0 =	por !p0, !p0;
	_ =	swait.ge @!p1 [sflag:s15], $0x1000  }
0x1c: {  	s12 =	smov.u32 s9;
	[sflag:s15] =	ssyncset.done @!p1 $0x0;
	s9 =	smov.u32 s14  }
0x1d: {  	s11 =	sadd.s32 $0x1, s11;
	[sflag:s15] =	ssyncadd.s32 @!p1 $0xFFFFF000;
	s10 =	smov.u32 s16  }
.LBB1_1:
0x1e: {  	p1 =	sge.u32 s11, s5  }
0x1f: {  	s14 =	sand.u32 @!p1 $0x1FFFFFF, s9  }
0x20: {  	s15 =	smulhi.u32 @!p1 $0x4924925, s14;
	_ =	sdelay $0x1  }
0x21: {  	s15 =	smul.u32 @!p1 $0x38, s15  }
0x22: {  	s16 =	sxor.u32 @!p1 $0xFFFFFFFF, s11;
	s17 =	smul.u32 @!p1 $0x380, s10  }
0x23: {  	s31 =	sadd.s32 $0xFFFFFFFF, s11;
	s16 =	sshll.u32 @!p1 s16, $0xC;
	s14 =	ssub.s32 @!p1 s14, s15  }
0x24: {  	s15 =	sand.u32 @!p1 $0x1000, s16;
	s16 =	sadd.s32 @!p1 s6, s17;
	s14 =	sshll.u32 @!p1 s14, $0x4  }
0x25: {  	s17 =	simm.s32 @!p1 $0x1C00;
	s14 =	sadd.s32 @!p1 s14, s16;
	s16 =	simm.s32 @!p1 $0x20  }
0x26: {  	[tilespmem:s15], [sflag:$0x1] =	stream.strided.gather @!p1 [hbm4b:s14+s16], $0x1000, s17, s16, $0x38;
	[tilespmem:$0x4040] =	vst v63  }
0x27: {  	p1 =	sge.u32 s31, s5  }
.Ltmp2:
0x28: {  	_ = 	snop;
	(pc) =	sbr.rel @p1 .LBB1_5-.Ltmp2, $1  }
0x29: {  	_ =	sdelay $0x3  }
0x2a: {  	s14 =	simm.s32 $0x1  }
0x2b: {  	_ =	swait.ge [sflag:s4], $0x1000;
	s14 =	simm.s32 @!p0 $0x0  }
0x2c: {  	[sflag:s4] =	ssyncset.done $0x0;
	s15 =	sshll.u32 s14, $0xC  }
0x2d: {  	[sflag:s4] =	ssyncadd.s32 $0xFFFFF000;
	s18 =	sor.u32 $0x10, s15  }
0x2e: {  	s14 =	smul.u32 $0x4080, s14;
	v1 =	vld [tilespmem:s18+$0x0]  }
0x2f: {  	s30 =	sand.u32 $0x1, s11;
	v0 =	vld [tilespmem:s18+$0xFFFFFFF0]  }
0x30: {  	s15 =	smul.u32 $0x4080, s30;
	s14 =	sshrl.u32 s14, $0x2  }
0x31: {  	s16 =	sor.u32 $0x2000, s14  }
0x32: {  	s31 =	sshrl.u32 s15, $0x2;
	s15 =	sadd.s32 $0x0, s16  }
0x33: {  	s17 =	simm.s32 $0x4;
	s18 =	sadd.s32 $0x20, s18;
	s14 =	sor.u32 $0x2000, s31;
	[tilespmem:s15+$0x810 ss:$0x81] =	vst.msk $0xffff, v1  }
.LBB1_3:
0x34: {  	v1 =	vld [tilespmem:s18+$0x0];
	p1 =	sne.s32 s17, $0x1FC;
	[tilespmem:s15+$0x0 ss:$0x81] =	vst.msk $0xffff, v0;
	s15 =	smov.u32 s17;
	s17 =	sadd.s32 $0x4, s17  }
.Ltmp3:
0x35: {  	v0 =	vld [tilespmem:s18+$0xFFFFFFF0];
	(pc) =	sbr.rel @p1 .LBB1_3-.Ltmp3, $4  }
0x36: {  	_ = 	snop  }
0x37: {  	s15 =	sshra.s32 s15, $0x2  }
0x38: {  	s15 =	sadd.s32 s15, s16  }
0x39: {  	s18 =	sadd.s32 $0x20, s18;
	[tilespmem:s15+$0x810 ss:$0x81] =	vst.msk $0xffff, v1  }
.Ltmp4:
0x3a: {  	_ = 	snop;
	(pc) =	sbr.rel .LBB1_4-.Ltmp4, $1  }
0x3b: {  	_ =	sdelay $0x3  }
.LBB1_6:
0x3c: {  	_ =	sfence.sel $0x180000  }
0x3d: {  	s2 =	simm.s32 $0x1;
	[bflag:$0x0] =	sbarrier.arrive $0xFFFF  }
0x3e: {  	s31 =	simm.s32 $0x2;
	[sflag:s2] =	ssyncpa.u1 $0x1  }
0x3f: {  	[sflag:s31] =	ssyncpa.u1 $0x1  }
0x40: {  	p0 =	sne.s32 s0, $0x0;
	_ =	strace $0x9000004A  }
0x41: {  	s0 =	sadd.s32 @!p0 $0x100000, s1;
	[bflag:$0x2] =	sbarrier.arrive $0xFFFF  }
0x42: {  	[sflag:s0] =	ssyncadd.tile.s32 @!p0 $0x1;
	_ =	shalt  }
.Lfunc_end1:
_tile_overlayer_lowered:
.L_overlay_start_2:
0x43: {  	(tag) =	ssettag $0x2  }
0x44: {  	s0 =	rddreg [dreg:$0x0];
	s2 =	stileid.u32  }
0x45: {  	s1 =	rddreg [dreg:$0x1];
	p0 =	sne.s32 s2, $0x0  }
0x46: {  	s3 =	rddreg [dreg:$0x2];
	[bflag:$0x3] =	sbarrier.arrive $0xFFFF;
	s2 =	simm.s32 @!p0 $0x1C01  }
0x47: {  	[timem:s3], [sflag:s2] =	dma.local @!p0 [hbm:s0], s1  }
0x48: {  	s0 =	simm.s32 @!p0 $0x1  }
0x49: {  	_ =	swait.ge @!p0 [sflag:s0], s1  }
0x4a: {  	s1 =	ssub.s32 @!p0 $0x0, s1;
	[sflag:s0] =	ssyncset.done @!p0 $0x0  }
0x4b: {  	[sflag:s0] =	ssyncadd.s32 @!p0 s1  }
0x4c: {  	[bflag:$0x3] =	sbarrier.arrive $0xFFFF  }
0x4d: {  	_ =	shalt  }

</sc_bundles>
